<compile_context>
chip_gen: v7x
topology: tpu7x:2x2x1
jax: 0.10.2.dev20260603
libtpu: 0.0.44.dev20260713+nightly
codegen_flags: <defaults>
</compile_context>

<pallas_src>
import functools
import math

import jax
import jax.numpy as jnp
from jax import lax
from jax.experimental import pallas as pl
from jax.experimental.pallas import tpu as pltpu
from jax.experimental.pallas import tpu_sc as plsc

ALPHA = 0.1
THETA = math.log(0.5 / 1.0 + 1.0)

NC = 2
NS = 16
NW = NC * NS
CHUNK = 128


def _pre_kernel(x_ref, u_ref, Wf_ref, bf_ref, ecol_ref, div_ref, We0_ref,
                Wsin_ref, Wcos_ref, beig_ref, Wdec_ref, bdec_ref, swr_ref,
                h_ref, S_ref, acc_ref):
    i = pl.program_id(0)
    nsteps = pl.num_programs(0)
    h = jnp.dot(x_ref[...], Wf_ref[...], preferred_element_type=jnp.float32)
    h = h + bf_ref[...]
    h_ref[...] = h

    @pl.when(i == 0)
    def _():
        acc_ref[...] = jnp.zeros_like(acc_ref)

    acc_ref[...] += lax.dot_general(
        u_ref[...], h, (((0,), (0,)), ((), ())),
        preferred_element_type=jnp.float32)

    @pl.when(i == nsteps - 1)
    def _():
        ecol = ecol_ref[...]
        pe = (ecol * 100.0) * div_ref[...]
        eig = (ecol * We0_ref[...]
               + jnp.dot(jnp.sin(pe), Wsin_ref[...],
                         preferred_element_type=jnp.float32)
               + jnp.dot(jnp.cos(pe), Wcos_ref[...],
                         preferred_element_type=jnp.float32)
               + beig_ref[...])
        new_e = jnp.dot(eig, Wdec_ref[...],
                        preferred_element_type=jnp.float32) + bdec_ref[...]
        M = new_e.shape[1]
        combo = new_e[:, 0:1] * swr_ref[0:1, :]
        for m in range(1, M):
            combo = combo + new_e[:, m:m + 1] * swr_ref[m:m + 1, :]
        S_ref[...] = acc_ref[...] * combo


def _hspec_kernel(h_ref, u_ref, S_ref, sw0_ref, out_ref):
    out_ref[...] = (sw0_ref[...] * h_ref[...]
                    + jnp.dot(u_ref[...], S_ref[...],
                              preferred_element_type=jnp.float32))


def _post_kernel(h_ref, hip_ref, degp_ref, Wgc_ref, W1_ref, b1_ref, W2_ref,
                 b2_ref, out_ref):
    hi = hip_ref[0] + hip_ref[1]
    deg = degp_ref[0, :, 0:1] + degp_ref[1, :, 0:1]
    hi = hi / jnp.maximum(deg, 1.0)
    support = (1.0 - ALPHA) * hi + ALPHA * h_ref[...]
    out = THETA * jnp.dot(support, Wgc_ref[...],
                          preferred_element_type=jnp.float32) \
        + (1.0 - THETA) * support
    out = jnp.maximum(
        jnp.dot(out, W1_ref[...], preferred_element_type=jnp.float32)
        + b1_ref[...], 0.0)
    out_ref[...] = jnp.dot(out, W2_ref[...],
                           preferred_element_type=jnp.float32) + b2_ref[...]


def _make_sc_spmm(n_acc, d, chunks, rows_pt):
    epw = chunks * CHUNK
    mesh = plsc.VectorSubcoreMesh(core_axis_name="c", subcore_axis_name="s")

    @functools.partial(
        pl.kernel,
        out_type=[
            jax.ShapeDtypeStruct((NC * n_acc, d), jnp.float32),
            jax.ShapeDtypeStruct((NC * n_acc, d), jnp.float32),
        ],
        mesh=mesh,
        scratch_types=[
            pltpu.VMEM((CHUNK,), jnp.int32),
            pltpu.VMEM((CHUNK,), jnp.int32),
            pltpu.VMEM((CHUNK,), jnp.int32),
            pltpu.VMEM((CHUNK, d), jnp.float32),
            pltpu.VMEM_SHARED((n_acc, d), jnp.float32),
            pltpu.SemaphoreType.DMA,
            pltpu.SemaphoreType.DMA,
        ],
    )
    def spmm(src_hbm, dst_hbm, hspec_hbm, zeros_hbm, ones_hbm, rowidx_hbm,
             hi_out, deg_out, srcv, dstv, dstvB, rows, acc, sem, semB):
        cid = lax.axis_index("c")
        sid = lax.axis_index("s")
        wid = sid * NC + cid
        row0 = sid * rows_pt
        base = wid * epw
        out0 = cid * n_acc + row0
        nz = rows_pt // CHUNK


        def zero_acc():
            pltpu.sync_copy(zeros_hbm, rows)
            for z in range(nz):
                pltpu.sync_copy(rowidx_hbm.at[pl.ds(row0 + z * CHUNK, CHUNK)],
                                dstv)
                pltpu.sync_copy(rows, acc.at[dstv])
            plsc.subcore_barrier()

        def copy_out(dst_hbm_out):
            for z in range(nz):
                pltpu.sync_copy(rowidx_hbm.at[pl.ds(row0 + z * CHUNK, CHUNK)],
                                dstv)
                pltpu.sync_copy(acc.at[dstv], rows)
                pltpu.sync_copy(rows, dst_hbm_out.at[pl.ds(out0 + z * CHUNK,
                                                           CHUNK)])
            plsc.subcore_barrier()

        zero_acc()

        def step(j, carry):
            off = base + j * CHUNK
            d1 = pltpu.async_copy(src_hbm.at[pl.ds(off, CHUNK)], srcv, sem)
            d2 = pltpu.async_copy(dst_hbm.at[pl.ds(off, CHUNK)], dstv, sem)
            d1.wait()
            d2.wait()
            pltpu.async_copy(hspec_hbm.at[srcv], rows, sem).wait()
            pltpu.sync_copy(rows, acc.at[dstv], add=True)
            return carry

        lax.fori_loop(0, chunks, step, 0)
        plsc.subcore_barrier()
        copy_out(hi_out)

        zero_acc()
        pltpu.sync_copy(ones_hbm, rows)

        def dstep(i, carry):
            j = 2 * i
            off = base + j * CHUNK
            d1 = pltpu.async_copy(dst_hbm.at[pl.ds(off, CHUNK)], dstv, sem)
            d2 = pltpu.async_copy(dst_hbm.at[pl.ds(off + CHUNK, CHUNK)],
                                  dstvB, semB)
            d1.wait()
            pltpu.sync_copy(rows, acc.at[dstv], add=True)
            d2.wait()
            pltpu.sync_copy(rows, acc.at[dstvB], add=True)
            return carry

        lax.fori_loop(0, chunks // 2, dstep, 0)
        if chunks % 2:
            off = base + (chunks - 1) * CHUNK
            pltpu.sync_copy(dst_hbm.at[pl.ds(off, CHUNK)], dstv)
            pltpu.sync_copy(rows, acc.at[dstv], add=True)
        plsc.subcore_barrier()
        copy_out(deg_out)

    return spmm


def kernel(x, e, u, edge_index, W_feat, b_feat, W_eig, b_eig, W_dec, b_dec,
           spec_weight, W_gc, W1, b1, W2, b2):
    n, d = x.shape
    k = e.shape[0]
    hid = W_eig.shape[1]
    m = W_dec.shape[1]
    num_e = edge_index.shape[1]
    nclass = W2.shape[1]
    hdim = W1.shape[1]

    blk = 1000
    nblk = n // blk

    ecol = e.reshape(k, 1)
    div = jnp.exp(jnp.arange(0, hid, 2, dtype=jnp.float32)
                  * (-math.log(10000.0) / hid)).reshape(1, hid // 2)
    We0 = W_eig[0].reshape(1, hid)
    Wsin = W_eig[1:1 + hid // 2]
    Wcos = W_eig[1 + hid // 2:]
    sw0 = spec_weight[0, 0].reshape(1, d)
    swr = spec_weight[0, 1:]

    f32 = jnp.float32
    h, S = pl.pallas_call(
        _pre_kernel,
        grid=(nblk,),
        in_specs=[
            pl.BlockSpec((blk, d), lambda i: (i, 0)),
            pl.BlockSpec((blk, k), lambda i: (i, 0)),
            pl.BlockSpec((d, d), lambda i: (0, 0)),
            pl.BlockSpec((1, d), lambda i: (0, 0)),
            pl.BlockSpec((k, 1), lambda i: (0, 0)),
            pl.BlockSpec((1, hid // 2), lambda i: (0, 0)),
            pl.BlockSpec((1, hid), lambda i: (0, 0)),
            pl.BlockSpec((hid // 2, hid), lambda i: (0, 0)),
            pl.BlockSpec((hid // 2, hid), lambda i: (0, 0)),
            pl.BlockSpec((1, hid), lambda i: (0, 0)),
            pl.BlockSpec((hid, m), lambda i: (0, 0)),
            pl.BlockSpec((1, m), lambda i: (0, 0)),
            pl.BlockSpec((m, d), lambda i: (0, 0)),
        ],
        out_specs=[
            pl.BlockSpec((blk, d), lambda i: (i, 0)),
            pl.BlockSpec((k, d), lambda i: (0, 0)),
        ],
        out_shape=[
            jax.ShapeDtypeStruct((n, d), f32),
            jax.ShapeDtypeStruct((k, d), f32),
        ],
        scratch_shapes=[pltpu.VMEM((k, d), f32)],
    )(x, u, W_feat, b_feat.reshape(1, d), ecol, div, We0, Wsin, Wcos,
      b_eig.reshape(1, hid), W_dec, b_dec.reshape(1, m), swr)

    h_spec = pl.pallas_call(
        _hspec_kernel,
        grid=(nblk,),
        in_specs=[
            pl.BlockSpec((blk, d), lambda i: (i, 0)),
            pl.BlockSpec((blk, k), lambda i: (i, 0)),
            pl.BlockSpec((k, d), lambda i: (0, 0)),
            pl.BlockSpec((1, d), lambda i: (0, 0)),
        ],
        out_specs=pl.BlockSpec((blk, d), lambda i: (i, 0)),
        out_shape=jax.ShapeDtypeStruct((n, d), f32),
    )(h, u, S, sw0)

    chunks = -(-num_e // (NW * CHUNK))
    e_pad = NW * chunks * CHUNK
    rows_pt = ((-(-(n + 1) // NS)) + CHUNK - 1) // CHUNK * CHUNK
    n_acc = rows_pt * NS
    src = jnp.concatenate(
        [edge_index[0], jnp.zeros((e_pad - num_e,), jnp.int32)])
    dst = jnp.concatenate(
        [edge_index[1], jnp.full((e_pad - num_e,), n, jnp.int32)])
    zeros_hbm = jnp.zeros((CHUNK, d), f32)
    ones_hbm = jnp.ones((CHUNK, d), f32)
    rowidx_hbm = jnp.arange(n_acc, dtype=jnp.int32)

    spmm = _make_sc_spmm(n_acc, d, chunks, rows_pt)
    hi_p, deg_p = spmm(src, dst, h_spec, zeros_hbm, ones_hbm, rowidx_hbm)
    hi_p = hi_p.reshape(NC, n_acc, d)
    deg_p = deg_p.reshape(NC, n_acc, d)

    logits = pl.pallas_call(
        _post_kernel,
        grid=(nblk,),
        in_specs=[
            pl.BlockSpec((blk, d), lambda i: (i, 0)),
            pl.BlockSpec((NC, blk, d), lambda i: (0, i, 0)),
            pl.BlockSpec((NC, blk, d), lambda i: (0, i, 0)),
            pl.BlockSpec((d, d), lambda i: (0, 0)),
            pl.BlockSpec((d, hdim), lambda i: (0, 0)),
            pl.BlockSpec((1, hdim), lambda i: (0, 0)),
            pl.BlockSpec((hdim, nclass), lambda i: (0, 0)),
            pl.BlockSpec((1, nclass), lambda i: (0, 0)),
        ],
        out_specs=pl.BlockSpec((blk, nclass), lambda i: (i, 0)),
        out_shape=jax.ShapeDtypeStruct((n, nclass), f32),
    )(h, hi_p, deg_p, W_gc, W1, b1.reshape(1, hdim), W2, b2.reshape(1, nclass))

    return logits

# --- scband reference (transcript-rebuilt; emitter-appended) ---
"""Pipeline reference for scband-specformer-37984690765994 (READ-ONLY COPY).

The authoritative reference and input builder live on the scoring server;
editing this copy changes nothing except your own understanding.
"""

import jax, jax.numpy as jnp
import numpy as np
import math

N = 10000
E = 320000
D = 128
K = 64
M = 2  # number of learned spectral filter channels (nheads+1)
NCLASS = 64
HID = 64
ALPHA = 0.1
THETA = math.log(0.5 / 1.0 + 1.0)


def setup_inputs(seed: int = 0) -> dict:
    key = jax.random.key(seed)
    ks = jax.random.split(key, 16)
    x = jax.random.normal(ks[0], (N, D), dtype=jnp.float32)
    e = jax.random.uniform(ks[1], (K,), dtype=jnp.float32) * 2.0
    u = jax.random.normal(ks[2], (N, K), dtype=jnp.float32) / math.sqrt(N)
    edge_index = jax.random.randint(ks[3], (2, E), 0, N, dtype=jnp.int32)
    s = 1.0 / math.sqrt(D)
    W_feat = jax.random.uniform(ks[4], (D, D), dtype=jnp.float32, minval=-s, maxval=s)
    b_feat = jnp.zeros((D,), dtype=jnp.float32)
    W_eig = jax.random.uniform(ks[5], (D + 1, D), dtype=jnp.float32, minval=-s, maxval=s)
    b_eig = jnp.zeros((D,), dtype=jnp.float32)
    W_dec = jax.random.uniform(ks[6], (D, M), dtype=jnp.float32, minval=-s, maxval=s)
    b_dec = jnp.zeros((M,), dtype=jnp.float32)
    spec_weight = jnp.ones((1, M + 1, D), dtype=jnp.float32)
    W_gc = jax.random.uniform(ks[7], (D, D), dtype=jnp.float32, minval=-s, maxval=s)
    W1 = jax.random.uniform(ks[8], (D, HID), dtype=jnp.float32, minval=-s, maxval=s)
    b1 = jnp.zeros((HID,), dtype=jnp.float32)
    W2 = jax.random.uniform(ks[9], (HID, NCLASS), dtype=jnp.float32, minval=-1.0 / math.sqrt(HID), maxval=1.0 / math.sqrt(HID))
    b2 = jnp.zeros((NCLASS,), dtype=jnp.float32)
    return {"x": x, "e": e, "u": u, "edge_index": edge_index,
            "W_feat": W_feat, "b_feat": b_feat, "W_eig": W_eig, "b_eig": b_eig,
            "W_dec": W_dec, "b_dec": b_dec, "spec_weight": spec_weight,
            "W_gc": W_gc, "W1": W1, "b1": b1, "W2": W2, "b2": b2}


def reference(x, e, u, edge_index, W_feat, b_feat, W_eig, b_eig, W_dec, b_dec,
              spec_weight, W_gc, W1, b1, W2, b2):
    hid = W_eig.shape[1]
    # feature encoder
    h = x @ W_feat + b_feat
    # SineEncoding of eigenvalues (constant=100, sinusoidal eig embedding)
    ee = e * 100.0
    div = jnp.exp(jnp.arange(0, hid, 2, dtype=jnp.float32) * (-math.log(10000.0) / hid))
    pe = ee[:, None] * div[None, :]
    eeig = jnp.concatenate([e[:, None], jnp.sin(pe), jnp.cos(pe)], axis=1)  # [K, hid+1]
    eig = eeig @ W_eig + b_eig  # [K, hid]
    # decode learned spectral filters
    new_e = eig @ W_dec + b_dec  # [K, M]
    # spectral bases: u @ diag(new_e[:, i]) @ u.T @ h
    utx = u.T @ h  # [K, D]
    bases = [h]
    for i in range(new_e.shape[1]):
        bases.append(u @ (new_e[:, i:i + 1] * utx))
    basic = jnp.stack(bases, axis=1)  # [N, M+1, D]
    # SpecLayer: weighted combination of bases
    h_spec = jnp.sum(basic * spec_weight, axis=1)  # [N, D]
    # GCNII-style propagation: hi = spmm(adj_norm, h_spec) via gather + scatter-add
    src = edge_index[0]
    dst = edge_index[1]
    deg = jnp.zeros((N,), dtype=h_spec.dtype).at[dst].add(1.0)
    hi = jnp.zeros_like(h_spec).at[dst].add(h_spec[src])
    hi = hi / jnp.maximum(deg, 1.0)[:, None]
    support = (1.0 - ALPHA) * hi + ALPHA * h
    out = THETA * (support @ W_gc) + (1.0 - THETA) * support
    # MLP head
    out = jax.nn.relu(out @ W1 + b1)
    logits = out @ W2 + b2
    return logits

if __name__ == "__main__":
    import jax
    _d = setup_inputs()
    print(jax.jit(kernel)(*tuple(_d.values())))

</pallas_src>

<mosaic_0001>
#map = affine_map<(d0, d1) -> (0)>
#map1 = affine_map<(d0, d1) -> (0, 0)>
module attributes {stable_mosaic.version = 14 : i64} {
  func.func @spmm(%arg0: i32, %arg1: i32, %arg2: memref<323584xi32, #tpu.memory_space<hbm>>, %arg3: memref<323584xi32, #tpu.memory_space<hbm>>, %arg4: memref<10000x128xf32, #tpu.memory_space<hbm>>, %arg5: memref<128x128xf32, #tpu.memory_space<hbm>>, %arg6: memref<128x128xf32, #tpu.memory_space<hbm>>, %arg7: memref<10240xi32, #tpu.memory_space<hbm>>, %arg8: memref<20480x128xf32, #tpu.memory_space<hbm>>, %arg9: memref<20480x128xf32, #tpu.memory_space<hbm>>, %arg10: memref<128xi32, #tpu.memory_space<vmem>>, %arg11: memref<128xi32, #tpu.memory_space<vmem>>, %arg12: memref<128xi32, #tpu.memory_space<vmem>>, %arg13: memref<128x128xf32, #tpu.memory_space<vmem>>, %arg14: memref<10240x128xf32, #tpu.memory_space<vmem_shared>>, %arg15: memref<!tpu.dma_semaphore, #tpu.memory_space<semaphore_mem>>, %arg16: memref<!tpu.dma_semaphore, #tpu.memory_space<semaphore_mem>>) attributes {dimension_semantics = [#tpu.dimension_semantics<core_parallel>, #tpu.dimension_semantics<subcore_parallel>], iteration_bounds = array<i64: 2, 16>, scalar_prefetch = 0 : i64, scratch_operands = 7 : i64, tpu.core_type = #tpu.core_type<sc_vector_subcore>, window_params = [{transform_indices = #map}, {transform_indices = #map}, {transform_indices = #map1}, {transform_indices = #map1}, {transform_indices = #map1}, {transform_indices = #map}, {transform_indices = #map1}, {transform_indices = #map1}]} {
    %mul3A = arith.constant 2 : i32
    %mul3A_0 = arith.muli %arg1, %mul3A : i32
    %add3A = arith.addi %mul3A_0, %arg0 : i32
    %mul3A_1 = arith.constant 640 : i32
    %mul3A_2 = arith.muli %arg1, %mul3A_1 : i32
    %mul3A_3 = arith.constant 10112 : i32
    %mul3A_4 = arith.muli %add3A, %mul3A_3 : i32
    %mul3A_5 = arith.constant 10240 : i32
    %mul3A_6 = arith.muli %arg0, %mul3A_5 : i32
    %add3A_7 = arith.addi %mul3A_6, %mul3A_2 : i32
    "tpu.region"() ({
      %run_scoped3A = tpu.sem_alloc : memref<!tpu.dma_semaphore, #tpu.memory_space<semaphore_mem>>
      tpu.enqueue_dma source(%arg5 : memref<128x128xf32, #tpu.memory_space<hbm>>) target(%arg13 : memref<128x128xf32, #tpu.memory_space<vmem>>) target_semaphore(%run_scoped3A : memref<!tpu.dma_semaphore, #tpu.memory_space<semaphore_mem>>)
      tpu.wait_dma2 semaphore(%run_scoped3A : memref<!tpu.dma_semaphore, #tpu.memory_space<semaphore_mem>>) src(%arg5 : memref<128x128xf32, #tpu.memory_space<hbm>>) dst(%arg13 : memref<128x128xf32, #tpu.memory_space<vmem>>)
      tpu.yield
    }) : () -> ()
    %add3A_8 = arith.constant 0 : i32
    %add3A_9 = arith.addi %mul3A_2, %add3A_8 : i32
    "tpu.region"() ({
      %run_scoped3A = tpu.sem_alloc : memref<!tpu.dma_semaphore, #tpu.memory_space<semaphore_mem>>
      %dma_start3A = tpu.memref_slice %arg7[%add3A_9] : memref<10240xi32, #tpu.memory_space<hbm>> -> memref<128xi32, #tpu.memory_space<hbm>>
      %dma_start3A_86 = tpu.memref_slice %arg7[%add3A_9] : memref<10240xi32, #tpu.memory_space<hbm>> -> memref<128xi32, #tpu.memory_space<hbm>>
      tpu.enqueue_dma source(%dma_start3A_86 : memref<128xi32, #tpu.memory_space<hbm>>) target(%arg11 : memref<128xi32, #tpu.memory_space<vmem>>) target_semaphore(%run_scoped3A : memref<!tpu.dma_semaphore, #tpu.memory_space<semaphore_mem>>)
      %dma_wait3A = tpu.memref_slice %arg7[%add3A_9] : memref<10240xi32, #tpu.memory_space<hbm>> -> memref<128xi32, #tpu.memory_space<hbm>>
      %dma_wait3A_87 = tpu.memref_slice %arg7[%add3A_9] : memref<10240xi32, #tpu.memory_space<hbm>> -> memref<128xi32, #tpu.memory_space<hbm>>
      tpu.wait_dma2 semaphore(%run_scoped3A : memref<!tpu.dma_semaphore, #tpu.memory_space<semaphore_mem>>) src(%dma_wait3A_87 : memref<128xi32, #tpu.memory_space<hbm>>) dst(%arg11 : memref<128xi32, #tpu.memory_space<vmem>>)
      tpu.yield
    }) : () -> ()
    "tpu.region"() ({
      %run_scoped3A = tpu.sem_alloc : memref<!tpu.dma_semaphore, #tpu.memory_space<semaphore_mem>>
      %dma_start3A = arith.constant 0 : i32
      %dma_start3A_86 = arith.constant 0 : i32
      %dma_start3A_87 = tpu.memref_slice %arg14[%dma_start3A, %dma_start3A_86] : memref<10240x128xf32, #tpu.memory_space<vmem_shared>> -> memref<10240x128xf32, #tpu.memory_space<vmem_shared>>
      tpu.enqueue_indirect_dma source(%arg13 : memref<128x128xf32, #tpu.memory_space<vmem>>) target(%dma_start3A_87 : memref<10240x128xf32, #tpu.memory_space<vmem_shared>>) offsets(%arg11 : memref<128xi32, #tpu.memory_space<vmem>>) semaphore(%run_scoped3A : memref<!tpu.dma_semaphore, #tpu.memory_space<semaphore_mem>>)
      %dma_wait3A = arith.constant 0 : i32
      %dma_wait3A_88 = arith.constant 0 : i32
      %dma_wait3A_89 = tpu.memref_slice %arg14[%dma_wait3A, %dma_wait3A_88] : memref<10240x128xf32, #tpu.memory_space<vmem_shared>> -> memref<10240x128xf32, #tpu.memory_space<vmem_shared>>
      tpu.wait_indirect_dma semaphore(%run_scoped3A : memref<!tpu.dma_semaphore, #tpu.memory_space<semaphore_mem>>) src(%arg13 : memref<128x128xf32, #tpu.memory_space<vmem>>) dst(%dma_wait3A_89 : memref<10240x128xf32, #tpu.memory_space<vmem_shared>>)
      tpu.yield
    }) : () -> ()
    %add3A_10 = arith.constant 128 : i32
    %add3A_11 = arith.addi %mul3A_2, %add3A_10 : i32
    "tpu.region"() ({
      %run_scoped3A = tpu.sem_alloc : memref<!tpu.dma_semaphore, #tpu.memory_space<semaphore_mem>>
      %dma_start3A = tpu.memref_slice %arg7[%add3A_11] : memref<10240xi32, #tpu.memory_space<hbm>> -> memref<128xi32, #tpu.memory_space<hbm>>
      %dma_start3A_86 = tpu.memref_slice %arg7[%add3A_11] : memref<10240xi32, #tpu.memory_space<hbm>> -> memref<128xi32, #tpu.memory_space<hbm>>
      tpu.enqueue_dma source(%dma_start3A_86 : memref<128xi32, #tpu.memory_space<hbm>>) target(%arg11 : memref<128xi32, #tpu.memory_space<vmem>>) target_semaphore(%run_scoped3A : memref<!tpu.dma_semaphore, #tpu.memory_space<semaphore_mem>>)
      %dma_wait3A = tpu.memref_slice %arg7[%add3A_11] : memref<10240xi32, #tpu.memory_space<hbm>> -> memref<128xi32, #tpu.memory_space<hbm>>
      %dma_wait3A_87 = tpu.memref_slice %arg7[%add3A_11] : memref<10240xi32, #tpu.memory_space<hbm>> -> memref<128xi32, #tpu.memory_space<hbm>>
      tpu.wait_dma2 semaphore(%run_scoped3A : memref<!tpu.dma_semaphore, #tpu.memory_space<semaphore_mem>>) src(%dma_wait3A_87 : memref<128xi32, #tpu.memory_space<hbm>>) dst(%arg11 : memref<128xi32, #tpu.memory_space<vmem>>)
      tpu.yield
    }) : () -> ()
    "tpu.region"() ({
      %run_scoped3A = tpu.sem_alloc : memref<!tpu.dma_semaphore, #tpu.memory_space<semaphore_mem>>
      %dma_start3A = arith.constant 0 : i32
      %dma_start3A_86 = arith.constant 0 : i32
      %dma_start3A_87 = tpu.memref_slice %arg14[%dma_start3A, %dma_start3A_86] : memref<10240x128xf32, #tpu.memory_space<vmem_shared>> -> memref<10240x128xf32, #tpu.memory_space<vmem_shared>>
      tpu.enqueue_indirect_dma source(%arg13 : memref<128x128xf32, #tpu.memory_space<vmem>>) target(%dma_start3A_87 : memref<10240x128xf32, #tpu.memory_space<vmem_shared>>) offsets(%arg11 : memref<128xi32, #tpu.memory_space<vmem>>) semaphore(%run_scoped3A : memref<!tpu.dma_semaphore, #tpu.memory_space<semaphore_mem>>)
      %dma_wait3A = arith.constant 0 : i32
      %dma_wait3A_88 = arith.constant 0 : i32
      %dma_wait3A_89 = tpu.memref_slice %arg14[%dma_wait3A, %dma_wait3A_88] : memref<10240x128xf32, #tpu.memory_space<vmem_shared>> -> memref<10240x128xf32, #tpu.memory_space<vmem_shared>>
      tpu.wait_indirect_dma semaphore(%run_scoped3A : memref<!tpu.dma_semaphore, #tpu.memory_space<semaphore_mem>>) src(%arg13 : memref<128x128xf32, #tpu.memory_space<vmem>>) dst(%dma_wait3A_89 : memref<10240x128xf32, #tpu.memory_space<vmem_shared>>)
      tpu.yield
    }) : () -> ()
    %add3A_12 = arith.constant 256 : i32
    %add3A_13 = arith.addi %mul3A_2, %add3A_12 : i32
    "tpu.region"() ({
      %run_scoped3A = tpu.sem_alloc : memref<!tpu.dma_semaphore, #tpu.memory_space<semaphore_mem>>
      %dma_start3A = tpu.memref_slice %arg7[%add3A_13] : memref<10240xi32, #tpu.memory_space<hbm>> -> memref<128xi32, #tpu.memory_space<hbm>>
      %dma_start3A_86 = tpu.memref_slice %arg7[%add3A_13] : memref<10240xi32, #tpu.memory_space<hbm>> -> memref<128xi32, #tpu.memory_space<hbm>>
      tpu.enqueue_dma source(%dma_start3A_86 : memref<128xi32, #tpu.memory_space<hbm>>) target(%arg11 : memref<128xi32, #tpu.memory_space<vmem>>) target_semaphore(%run_scoped3A : memref<!tpu.dma_semaphore, #tpu.memory_space<semaphore_mem>>)
      %dma_wait3A = tpu.memref_slice %arg7[%add3A_13] : memref<10240xi32, #tpu.memory_space<hbm>> -> memref<128xi32, #tpu.memory_space<hbm>>
      %dma_wait3A_87 = tpu.memref_slice %arg7[%add3A_13] : memref<10240xi32, #tpu.memory_space<hbm>> -> memref<128xi32, #tpu.memory_space<hbm>>
      tpu.wait_dma2 semaphore(%run_scoped3A : memref<!tpu.dma_semaphore, #tpu.memory_space<semaphore_mem>>) src(%dma_wait3A_87 : memref<128xi32, #tpu.memory_space<hbm>>) dst(%arg11 : memref<128xi32, #tpu.memory_space<vmem>>)
      tpu.yield
    }) : () -> ()
    "tpu.region"() ({
      %run_scoped3A = tpu.sem_alloc : memref<!tpu.dma_semaphore, #tpu.memory_space<semaphore_mem>>
      %dma_start3A = arith.constant 0 : i32
      %dma_start3A_86 = arith.constant 0 : i32
      %dma_start3A_87 = tpu.memref_slice %arg14[%dma_start3A, %dma_start3A_86] : memref<10240x128xf32, #tpu.memory_space<vmem_shared>> -> memref<10240x128xf32, #tpu.memory_space<vmem_shared>>
      tpu.enqueue_indirect_dma source(%arg13 : memref<128x128xf32, #tpu.memory_space<vmem>>) target(%dma_start3A_87 : memref<10240x128xf32, #tpu.memory_space<vmem_shared>>) offsets(%arg11 : memref<128xi32, #tpu.memory_space<vmem>>) semaphore(%run_scoped3A : memref<!tpu.dma_semaphore, #tpu.memory_space<semaphore_mem>>)
      %dma_wait3A = arith.constant 0 : i32
      %dma_wait3A_88 = arith.constant 0 : i32
      %dma_wait3A_89 = tpu.memref_slice %arg14[%dma_wait3A, %dma_wait3A_88] : memref<10240x128xf32, #tpu.memory_space<vmem_shared>> -> memref<10240x128xf32, #tpu.memory_space<vmem_shared>>
      tpu.wait_indirect_dma semaphore(%run_scoped3A : memref<!tpu.dma_semaphore, #tpu.memory_space<semaphore_mem>>) src(%arg13 : memref<128x128xf32, #tpu.memory_space<vmem>>) dst(%dma_wait3A_89 : memref<10240x128xf32, #tpu.memory_space<vmem_shared>>)
      tpu.yield
    }) : () -> ()
    %add3A_14 = arith.constant 384 : i32
    %add3A_15 = arith.addi %mul3A_2, %add3A_14 : i32
    "tpu.region"() ({
      %run_scoped3A = tpu.sem_alloc : memref<!tpu.dma_semaphore, #tpu.memory_space<semaphore_mem>>
      %dma_start3A = tpu.memref_slice %arg7[%add3A_15] : memref<10240xi32, #tpu.memory_space<hbm>> -> memref<128xi32, #tpu.memory_space<hbm>>
      %dma_start3A_86 = tpu.memref_slice %arg7[%add3A_15] : memref<10240xi32, #tpu.memory_space<hbm>> -> memref<128xi32, #tpu.memory_space<hbm>>
      tpu.enqueue_dma source(%dma_start3A_86 : memref<128xi32, #tpu.memory_space<hbm>>) target(%arg11 : memref<128xi32, #tpu.memory_space<vmem>>) target_semaphore(%run_scoped3A : memref<!tpu.dma_semaphore, #tpu.memory_space<semaphore_mem>>)
      %dma_wait3A = tpu.memref_slice %arg7[%add3A_15] : memref<10240xi32, #tpu.memory_space<hbm>> -> memref<128xi32, #tpu.memory_space<hbm>>
      %dma_wait3A_87 = tpu.memref_slice %arg7[%add3A_15] : memref<10240xi32, #tpu.memory_space<hbm>> -> memref<128xi32, #tpu.memory_space<hbm>>
      tpu.wait_dma2 semaphore(%run_scoped3A : memref<!tpu.dma_semaphore, #tpu.memory_space<semaphore_mem>>) src(%dma_wait3A_87 : memref<128xi32, #tpu.memory_space<hbm>>) dst(%arg11 : memref<128xi32, #tpu.memory_space<vmem>>)
      tpu.yield
    }) : () -> ()
    "tpu.region"() ({
      %run_scoped3A = tpu.sem_alloc : memref<!tpu.dma_semaphore, #tpu.memory_space<semaphore_mem>>
      %dma_start3A = arith.constant 0 : i32
      %dma_start3A_86 = arith.constant 0 : i32
      %dma_start3A_87 = tpu.memref_slice %arg14[%dma_start3A, %dma_start3A_86] : memref<10240x128xf32, #tpu.memory_space<vmem_shared>> -> memref<10240x128xf32, #tpu.memory_space<vmem_shared>>
      tpu.enqueue_indirect_dma source(%arg13 : memref<128x128xf32, #tpu.memory_space<vmem>>) target(%dma_start3A_87 : memref<10240x128xf32, #tpu.memory_space<vmem_shared>>) offsets(%arg11 : memref<128xi32, #tpu.memory_space<vmem>>) semaphore(%run_scoped3A : memref<!tpu.dma_semaphore, #tpu.memory_space<semaphore_mem>>)
      %dma_wait3A = arith.constant 0 : i32
      %dma_wait3A_88 = arith.constant 0 : i32
      %dma_wait3A_89 = tpu.memref_slice %arg14[%dma_wait3A, %dma_wait3A_88] : memref<10240x128xf32, #tpu.memory_space<vmem_shared>> -> memref<10240x128xf32, #tpu.memory_space<vmem_shared>>
      tpu.wait_indirect_dma semaphore(%run_scoped3A : memref<!tpu.dma_semaphore, #tpu.memory_space<semaphore_mem>>) src(%arg13 : memref<128x128xf32, #tpu.memory_space<vmem>>) dst(%dma_wait3A_89 : memref<10240x128xf32, #tpu.memory_space<vmem_shared>>)
      tpu.yield
    }) : () -> ()
    %add3A_16 = arith.constant 512 : i32
    %add3A_17 = arith.addi %mul3A_2, %add3A_16 : i32
    "tpu.region"() ({
      %run_scoped3A = tpu.sem_alloc : memref<!tpu.dma_semaphore, #tpu.memory_space<semaphore_mem>>
      %dma_start3A = tpu.memref_slice %arg7[%add3A_17] : memref<10240xi32, #tpu.memory_space<hbm>> -> memref<128xi32, #tpu.memory_space<hbm>>
      %dma_start3A_86 = tpu.memref_slice %arg7[%add3A_17] : memref<10240xi32, #tpu.memory_space<hbm>> -> memref<128xi32, #tpu.memory_space<hbm>>
      tpu.enqueue_dma source(%dma_start3A_86 : memref<128xi32, #tpu.memory_space<hbm>>) target(%arg11 : memref<128xi32, #tpu.memory_space<vmem>>) target_semaphore(%run_scoped3A : memref<!tpu.dma_semaphore, #tpu.memory_space<semaphore_mem>>)
      %dma_wait3A = tpu.memref_slice %arg7[%add3A_17] : memref<10240xi32, #tpu.memory_space<hbm>> -> memref<128xi32, #tpu.memory_space<hbm>>
      %dma_wait3A_87 = tpu.memref_slice %arg7[%add3A_17] : memref<10240xi32, #tpu.memory_space<hbm>> -> memref<128xi32, #tpu.memory_space<hbm>>
      tpu.wait_dma2 semaphore(%run_scoped3A : memref<!tpu.dma_semaphore, #tpu.memory_space<semaphore_mem>>) src(%dma_wait3A_87 : memref<128xi32, #tpu.memory_space<hbm>>) dst(%arg11 : memref<128xi32, #tpu.memory_space<vmem>>)
      tpu.yield
    }) : () -> ()
    "tpu.region"() ({
      %run_scoped3A = tpu.sem_alloc : memref<!tpu.dma_semaphore, #tpu.memory_space<semaphore_mem>>
      %dma_start3A = arith.constant 0 : i32
      %dma_start3A_86 = arith.constant 0 : i32
      %dma_start3A_87 = tpu.memref_slice %arg14[%dma_start3A, %dma_start3A_86] : memref<10240x128xf32, #tpu.memory_space<vmem_shared>> -> memref<10240x128xf32, #tpu.memory_space<vmem_shared>>
      tpu.enqueue_indirect_dma source(%arg13 : memref<128x128xf32, #tpu.memory_space<vmem>>) target(%dma_start3A_87 : memref<10240x128xf32, #tpu.memory_space<vmem_shared>>) offsets(%arg11 : memref<128xi32, #tpu.memory_space<vmem>>) semaphore(%run_scoped3A : memref<!tpu.dma_semaphore, #tpu.memory_space<semaphore_mem>>)
      %dma_wait3A = arith.constant 0 : i32
      %dma_wait3A_88 = arith.constant 0 : i32
      %dma_wait3A_89 = tpu.memref_slice %arg14[%dma_wait3A, %dma_wait3A_88] : memref<10240x128xf32, #tpu.memory_space<vmem_shared>> -> memref<10240x128xf32, #tpu.memory_space<vmem_shared>>
      tpu.wait_indirect_dma semaphore(%run_scoped3A : memref<!tpu.dma_semaphore, #tpu.memory_space<semaphore_mem>>) src(%arg13 : memref<128x128xf32, #tpu.memory_space<vmem>>) dst(%dma_wait3A_89 : memref<10240x128xf32, #tpu.memory_space<vmem_shared>>)
      tpu.yield
    }) : () -> ()
    %barrier3A = arith.constant 0 : index
    tpu.barrier barrier_id(%barrier3A)
    %scan3A = arith.constant 0 : i32
    %scan3A_18 = arith.constant 0 : i32
    %scan3A_19 = arith.constant 79 : i32
    %scan3A_20 = arith.addi %scan3A_18, %scan3A_19 : i32
    %scan3A_21 = arith.constant 1 : i32
    scf.for %scan3A_86 = %scan3A_18 to %scan3A_20 step %scan3A_21  : i32 {
      %mul3A_87 = arith.constant 128 : i32
      %mul3A_88 = arith.muli %scan3A_86, %mul3A_87 : i32
      %add3A_89 = arith.addi %mul3A_4, %mul3A_88 : i32
      %dma_start3A = tpu.memref_slice %arg2[%add3A_89] : memref<323584xi32, #tpu.memory_space<hbm>> -> memref<128xi32, #tpu.memory_space<hbm>>
      %dma_start3A_90 = tpu.memref_slice %arg2[%add3A_89] : memref<323584xi32, #tpu.memory_space<hbm>> -> memref<128xi32, #tpu.memory_space<hbm>>
      tpu.enqueue_dma source(%dma_start3A_90 : memref<128xi32, #tpu.memory_space<hbm>>) target(%arg10 : memref<128xi32, #tpu.memory_space<vmem>>) target_semaphore(%arg15 : memref<!tpu.dma_semaphore, #tpu.memory_space<semaphore_mem>>)
      %dma_start3A_91 = tpu.memref_slice %arg3[%add3A_89] : memref<323584xi32, #tpu.memory_space<hbm>> -> memref<128xi32, #tpu.memory_space<hbm>>
      %dma_start3A_92 = tpu.memref_slice %arg3[%add3A_89] : memref<323584xi32, #tpu.memory_space<hbm>> -> memref<128xi32, #tpu.memory_space<hbm>>
      tpu.enqueue_dma source(%dma_start3A_92 : memref<128xi32, #tpu.memory_space<hbm>>) target(%arg11 : memref<128xi32, #tpu.memory_space<vmem>>) target_semaphore(%arg15 : memref<!tpu.dma_semaphore, #tpu.memory_space<semaphore_mem>>)
      %dma_wait3A = tpu.memref_slice %arg2[%add3A_89] : memref<323584xi32, #tpu.memory_space<hbm>> -> memref<128xi32, #tpu.memory_space<hbm>>
      %dma_wait3A_93 = tpu.memref_slice %arg2[%add3A_89] : memref<323584xi32, #tpu.memory_space<hbm>> -> memref<128xi32, #tpu.memory_space<hbm>>
      tpu.wait_dma2 semaphore(%arg15 : memref<!tpu.dma_semaphore, #tpu.memory_space<semaphore_mem>>) src(%dma_wait3A_93 : memref<128xi32, #tpu.memory_space<hbm>>) dst(%arg10 : memref<128xi32, #tpu.memory_space<vmem>>)
      %dma_wait3A_94 = tpu.memref_slice %arg3[%add3A_89] : memref<323584xi32, #tpu.memory_space<hbm>> -> memref<128xi32, #tpu.memory_space<hbm>>
      %dma_wait3A_95 = tpu.memref_slice %arg3[%add3A_89] : memref<323584xi32, #tpu.memory_space<hbm>> -> memref<128xi32, #tpu.memory_space<hbm>>
      tpu.wait_dma2 semaphore(%arg15 : memref<!tpu.dma_semaphore, #tpu.memory_space<semaphore_mem>>) src(%dma_wait3A_95 : memref<128xi32, #tpu.memory_space<hbm>>) dst(%arg11 : memref<128xi32, #tpu.memory_space<vmem>>)
      %dma_start3A_96 = arith.constant 0 : i32
      %dma_start3A_97 = arith.constant 0 : i32
      %dma_start3A_98 = tpu.memref_slice %arg4[%dma_start3A_96, %dma_start3A_97] : memref<10000x128xf32, #tpu.memory_space<hbm>> -> memref<10000x128xf32, #tpu.memory_space<hbm>>
      tpu.enqueue_indirect_dma source(%dma_start3A_98 : memref<10000x128xf32, #tpu.memory_space<hbm>>) target(%arg13 : memref<128x128xf32, #tpu.memory_space<vmem>>) offsets(%arg10 : memref<128xi32, #tpu.memory_space<vmem>>) semaphore(%arg15 : memref<!tpu.dma_semaphore, #tpu.memory_space<semaphore_mem>>)
      %dma_wait3A_99 = arith.constant 0 : i32
      %dma_wait3A_100 = arith.constant 0 : i32
      %dma_wait3A_101 = tpu.memref_slice %arg4[%dma_wait3A_99, %dma_wait3A_100] : memref<10000x128xf32, #tpu.memory_space<hbm>> -> memref<10000x128xf32, #tpu.memory_space<hbm>>
      tpu.wait_indirect_dma semaphore(%arg15 : memref<!tpu.dma_semaphore, #tpu.memory_space<semaphore_mem>>) src(%dma_wait3A_101 : memref<10000x128xf32, #tpu.memory_space<hbm>>) dst(%arg13 : memref<128x128xf32, #tpu.memory_space<vmem>>)
      "tpu.region"() ({
        %run_scoped3A = tpu.sem_alloc : memref<!tpu.dma_semaphore, #tpu.memory_space<semaphore_mem>>
        %dma_start3A_102 = arith.constant 0 : i32
        %dma_start3A_103 = arith.constant 0 : i32
        %dma_start3A_104 = tpu.memref_slice %arg14[%dma_start3A_102, %dma_start3A_103] : memref<10240x128xf32, #tpu.memory_space<vmem_shared>> -> memref<10240x128xf32, #tpu.memory_space<vmem_shared>>
        tpu.enqueue_indirect_dma source(%arg13 : memref<128x128xf32, #tpu.memory_space<vmem>>) target(%dma_start3A_104 : memref<10240x128xf32, #tpu.memory_space<vmem_shared>>) offsets(%arg11 : memref<128xi32, #tpu.memory_space<vmem>>) semaphore(%run_scoped3A : memref<!tpu.dma_semaphore, #tpu.memory_space<semaphore_mem>>) {add = true}
        %dma_wait3A_105 = arith.constant 0 : i32
        %dma_wait3A_106 = arith.constant 0 : i32
        %dma_wait3A_107 = tpu.memref_slice %arg14[%dma_wait3A_105, %dma_wait3A_106] : memref<10240x128xf32, #tpu.memory_space<vmem_shared>> -> memref<10240x128xf32, #tpu.memory_space<vmem_shared>>
        tpu.wait_indirect_dma semaphore(%run_scoped3A : memref<!tpu.dma_semaphore, #tpu.memory_space<semaphore_mem>>) src(%arg13 : memref<128x128xf32, #tpu.memory_space<vmem>>) dst(%dma_wait3A_107 : memref<10240x128xf32, #tpu.memory_space<vmem_shared>>)
        tpu.yield
      }) : () -> ()
    }
    %scan3A_22 = arith.constant 79 : i32
    %barrier3A_23 = arith.constant 0 : index
    tpu.barrier barrier_id(%barrier3A_23)
    %add3A_24 = arith.constant 0 : i32
    %add3A_25 = arith.addi %mul3A_2, %add3A_24 : i32
    "tpu.region"() ({
      %run_scoped3A = tpu.sem_alloc : memref<!tpu.dma_semaphore, #tpu.memory_space<semaphore_mem>>
      %dma_start3A = tpu.memref_slice %arg7[%add3A_25] : memref<10240xi32, #tpu.memory_space<hbm>> -> memref<128xi32, #tpu.memory_space<hbm>>
      %dma_start3A_86 = tpu.memref_slice %arg7[%add3A_25] : memref<10240xi32, #tpu.memory_space<hbm>> -> memref<128xi32, #tpu.memory_space<hbm>>
      tpu.enqueue_dma source(%dma_start3A_86 : memref<128xi32, #tpu.memory_space<hbm>>) target(%arg11 : memref<128xi32, #tpu.memory_space<vmem>>) target_semaphore(%run_scoped3A : memref<!tpu.dma_semaphore, #tpu.memory_space<semaphore_mem>>)
      %dma_wait3A = tpu.memref_slice %arg7[%add3A_25] : memref<10240xi32, #tpu.memory_space<hbm>> -> memref<128xi32, #tpu.memory_space<hbm>>
      %dma_wait3A_87 = tpu.memref_slice %arg7[%add3A_25] : memref<10240xi32, #tpu.memory_space<hbm>> -> memref<128xi32, #tpu.memory_space<hbm>>
      tpu.wait_dma2 semaphore(%run_scoped3A : memref<!tpu.dma_semaphore, #tpu.memory_space<semaphore_mem>>) src(%dma_wait3A_87 : memref<128xi32, #tpu.memory_space<hbm>>) dst(%arg11 : memref<128xi32, #tpu.memory_space<vmem>>)
      tpu.yield
    }) : () -> ()
    "tpu.region"() ({
      %run_scoped3A = tpu.sem_alloc : memref<!tpu.dma_semaphore, #tpu.memory_space<semaphore_mem>>
      %dma_start3A = arith.constant 0 : i32
      %dma_start3A_86 = arith.constant 0 : i32
      %dma_start3A_87 = tpu.memref_slice %arg14[%dma_start3A, %dma_start3A_86] : memref<10240x128xf32, #tpu.memory_space<vmem_shared>> -> memref<10240x128xf32, #tpu.memory_space<vmem_shared>>
      tpu.enqueue_indirect_dma source(%dma_start3A_87 : memref<10240x128xf32, #tpu.memory_space<vmem_shared>>) target(%arg13 : memref<128x128xf32, #tpu.memory_space<vmem>>) offsets(%arg11 : memref<128xi32, #tpu.memory_space<vmem>>) semaphore(%run_scoped3A : memref<!tpu.dma_semaphore, #tpu.memory_space<semaphore_mem>>)
      %dma_wait3A = arith.constant 0 : i32
      %dma_wait3A_88 = arith.constant 0 : i32
      %dma_wait3A_89 = tpu.memref_slice %arg14[%dma_wait3A, %dma_wait3A_88] : memref<10240x128xf32, #tpu.memory_space<vmem_shared>> -> memref<10240x128xf32, #tpu.memory_space<vmem_shared>>
      tpu.wait_indirect_dma semaphore(%run_scoped3A : memref<!tpu.dma_semaphore, #tpu.memory_space<semaphore_mem>>) src(%dma_wait3A_89 : memref<10240x128xf32, #tpu.memory_space<vmem_shared>>) dst(%arg13 : memref<128x128xf32, #tpu.memory_space<vmem>>)
      tpu.yield
    }) : () -> ()
    %add3A_26 = arith.constant 0 : i32
    %add3A_27 = arith.addi %add3A_7, %add3A_26 : i32
    "tpu.region"() ({
      %run_scoped3A = tpu.sem_alloc : memref<!tpu.dma_semaphore, #tpu.memory_space<semaphore_mem>>
      %dma_start3A = arith.constant 0 : i32
      %dma_start3A_86 = tpu.memref_slice %arg8[%add3A_27, %dma_start3A] : memref<20480x128xf32, #tpu.memory_space<hbm>> -> memref<128x128xf32, #tpu.memory_space<hbm>>
      %dma_start3A_87 = arith.constant 0 : i32
      %dma_start3A_88 = tpu.memref_slice %arg8[%add3A_27, %dma_start3A_87] : memref<20480x128xf32, #tpu.memory_space<hbm>> -> memref<128x128xf32, #tpu.memory_space<hbm>>
      tpu.enqueue_dma source(%arg13 : memref<128x128xf32, #tpu.memory_space<vmem>>) target(%dma_start3A_88 : memref<128x128xf32, #tpu.memory_space<hbm>>) target_semaphore(%run_scoped3A : memref<!tpu.dma_semaphore, #tpu.memory_space<semaphore_mem>>)
      %dma_wait3A = arith.constant 0 : i32
      %dma_wait3A_89 = tpu.memref_slice %arg8[%add3A_27, %dma_wait3A] : memref<20480x128xf32, #tpu.memory_space<hbm>> -> memref<128x128xf32, #tpu.memory_space<hbm>>
      %dma_wait3A_90 = arith.constant 0 : i32
      %dma_wait3A_91 = tpu.memref_slice %arg8[%add3A_27, %dma_wait3A_90] : memref<20480x128xf32, #tpu.memory_space<hbm>> -> memref<128x128xf32, #tpu.memory_space<hbm>>
      tpu.wait_dma2 semaphore(%run_scoped3A : memref<!tpu.dma_semaphore, #tpu.memory_space<semaphore_mem>>) src(%arg13 : memref<128x128xf32, #tpu.memory_space<vmem>>) dst(%dma_wait3A_91 : memref<128x128xf32, #tpu.memory_space<hbm>>)
      tpu.yield
    }) : () -> ()
    %add3A_28 = arith.constant 128 : i32
    %add3A_29 = arith.addi %mul3A_2, %add3A_28 : i32
    "tpu.region"() ({
      %run_scoped3A = tpu.sem_alloc : memref<!tpu.dma_semaphore, #tpu.memory_space<semaphore_mem>>
      %dma_start3A = tpu.memref_slice %arg7[%add3A_29] : memref<10240xi32, #tpu.memory_space<hbm>> -> memref<128xi32, #tpu.memory_space<hbm>>
      %dma_start3A_86 = tpu.memref_slice %arg7[%add3A_29] : memref<10240xi32, #tpu.memory_space<hbm>> -> memref<128xi32, #tpu.memory_space<hbm>>
      tpu.enqueue_dma source(%dma_start3A_86 : memref<128xi32, #tpu.memory_space<hbm>>) target(%arg11 : memref<128xi32, #tpu.memory_space<vmem>>) target_semaphore(%run_scoped3A : memref<!tpu.dma_semaphore, #tpu.memory_space<semaphore_mem>>)
      %dma_wait3A = tpu.memref_slice %arg7[%add3A_29] : memref<10240xi32, #tpu.memory_space<hbm>> -> memref<128xi32, #tpu.memory_space<hbm>>
      %dma_wait3A_87 = tpu.memref_slice %arg7[%add3A_29] : memref<10240xi32, #tpu.memory_space<hbm>> -> memref<128xi32, #tpu.memory_space<hbm>>
      tpu.wait_dma2 semaphore(%run_scoped3A : memref<!tpu.dma_semaphore, #tpu.memory_space<semaphore_mem>>) src(%dma_wait3A_87 : memref<128xi32, #tpu.memory_space<hbm>>) dst(%arg11 : memref<128xi32, #tpu.memory_space<vmem>>)
      tpu.yield
    }) : () -> ()
    "tpu.region"() ({
      %run_scoped3A = tpu.sem_alloc : memref<!tpu.dma_semaphore, #tpu.memory_space<semaphore_mem>>
      %dma_start3A = arith.constant 0 : i32
      %dma_start3A_86 = arith.constant 0 : i32
      %dma_start3A_87 = tpu.memref_slice %arg14[%dma_start3A, %dma_start3A_86] : memref<10240x128xf32, #tpu.memory_space<vmem_shared>> -> memref<10240x128xf32, #tpu.memory_space<vmem_shared>>
      tpu.enqueue_indirect_dma source(%dma_start3A_87 : memref<10240x128xf32, #tpu.memory_space<vmem_shared>>) target(%arg13 : memref<128x128xf32, #tpu.memory_space<vmem>>) offsets(%arg11 : memref<128xi32, #tpu.memory_space<vmem>>) semaphore(%run_scoped3A : memref<!tpu.dma_semaphore, #tpu.memory_space<semaphore_mem>>)
      %dma_wait3A = arith.constant 0 : i32
      %dma_wait3A_88 = arith.constant 0 : i32
      %dma_wait3A_89 = tpu.memref_slice %arg14[%dma_wait3A, %dma_wait3A_88] : memref<10240x128xf32, #tpu.memory_space<vmem_shared>> -> memref<10240x128xf32, #tpu.memory_space<vmem_shared>>
      tpu.wait_indirect_dma semaphore(%run_scoped3A : memref<!tpu.dma_semaphore, #tpu.memory_space<semaphore_mem>>) src(%dma_wait3A_89 : memref<10240x128xf32, #tpu.memory_space<vmem_shared>>) dst(%arg13 : memref<128x128xf32, #tpu.memory_space<vmem>>)
      tpu.yield
    }) : () -> ()
    %add3A_30 = arith.constant 128 : i32
    %add3A_31 = arith.addi %add3A_7, %add3A_30 : i32
    "tpu.region"() ({
      %run_scoped3A = tpu.sem_alloc : memref<!tpu.dma_semaphore, #tpu.memory_space<semaphore_mem>>
      %dma_start3A = arith.constant 0 : i32
      %dma_start3A_86 = tpu.memref_slice %arg8[%add3A_31, %dma_start3A] : memref<20480x128xf32, #tpu.memory_space<hbm>> -> memref<128x128xf32, #tpu.memory_space<hbm>>
      %dma_start3A_87 = arith.constant 0 : i32
      %dma_start3A_88 = tpu.memref_slice %arg8[%add3A_31, %dma_start3A_87] : memref<20480x128xf32, #tpu.memory_space<hbm>> -> memref<128x128xf32, #tpu.memory_space<hbm>>
      tpu.enqueue_dma source(%arg13 : memref<128x128xf32, #tpu.memory_space<vmem>>) target(%dma_start3A_88 : memref<128x128xf32, #tpu.memory_space<hbm>>) target_semaphore(%run_scoped3A : memref<!tpu.dma_semaphore, #tpu.memory_space<semaphore_mem>>)
      %dma_wait3A = arith.constant 0 : i32
      %dma_wait3A_89 = tpu.memref_slice %arg8[%add3A_31, %dma_wait3A] : memref<20480x128xf32, #tpu.memory_space<hbm>> -> memref<128x128xf32, #tpu.memory_space<hbm>>
      %dma_wait3A_90 = arith.constant 0 : i32
      %dma_wait3A_91 = tpu.memref_slice %arg8[%add3A_31, %dma_wait3A_90] : memref<20480x128xf32, #tpu.memory_space<hbm>> -> memref<128x128xf32, #tpu.memory_space<hbm>>
      tpu.wait_dma2 semaphore(%run_scoped3A : memref<!tpu.dma_semaphore, #tpu.memory_space<semaphore_mem>>) src(%arg13 : memref<128x128xf32, #tpu.memory_space<vmem>>) dst(%dma_wait3A_91 : memref<128x128xf32, #tpu.memory_space<hbm>>)
      tpu.yield
    }) : () -> ()
    %add3A_32 = arith.constant 256 : i32
    %add3A_33 = arith.addi %mul3A_2, %add3A_32 : i32
    "tpu.region"() ({
      %run_scoped3A = tpu.sem_alloc : memref<!tpu.dma_semaphore, #tpu.memory_space<semaphore_mem>>
      %dma_start3A = tpu.memref_slice %arg7[%add3A_33] : memref<10240xi32, #tpu.memory_space<hbm>> -> memref<128xi32, #tpu.memory_space<hbm>>
      %dma_start3A_86 = tpu.memref_slice %arg7[%add3A_33] : memref<10240xi32, #tpu.memory_space<hbm>> -> memref<128xi32, #tpu.memory_space<hbm>>
      tpu.enqueue_dma source(%dma_start3A_86 : memref<128xi32, #tpu.memory_space<hbm>>) target(%arg11 : memref<128xi32, #tpu.memory_space<vmem>>) target_semaphore(%run_scoped3A : memref<!tpu.dma_semaphore, #tpu.memory_space<semaphore_mem>>)
      %dma_wait3A = tpu.memref_slice %arg7[%add3A_33] : memref<10240xi32, #tpu.memory_space<hbm>> -> memref<128xi32, #tpu.memory_space<hbm>>
      %dma_wait3A_87 = tpu.memref_slice %arg7[%add3A_33] : memref<10240xi32, #tpu.memory_space<hbm>> -> memref<128xi32, #tpu.memory_space<hbm>>
      tpu.wait_dma2 semaphore(%run_scoped3A : memref<!tpu.dma_semaphore, #tpu.memory_space<semaphore_mem>>) src(%dma_wait3A_87 : memref<128xi32, #tpu.memory_space<hbm>>) dst(%arg11 : memref<128xi32, #tpu.memory_space<vmem>>)
      tpu.yield
    }) : () -> ()
    "tpu.region"() ({
      %run_scoped3A = tpu.sem_alloc : memref<!tpu.dma_semaphore, #tpu.memory_space<semaphore_mem>>
      %dma_start3A = arith.constant 0 : i32
      %dma_start3A_86 = arith.constant 0 : i32
      %dma_start3A_87 = tpu.memref_slice %arg14[%dma_start3A, %dma_start3A_86] : memref<10240x128xf32, #tpu.memory_space<vmem_shared>> -> memref<10240x128xf32, #tpu.memory_space<vmem_shared>>
      tpu.enqueue_indirect_dma source(%dma_start3A_87 : memref<10240x128xf32, #tpu.memory_space<vmem_shared>>) target(%arg13 : memref<128x128xf32, #tpu.memory_space<vmem>>) offsets(%arg11 : memref<128xi32, #tpu.memory_space<vmem>>) semaphore(%run_scoped3A : memref<!tpu.dma_semaphore, #tpu.memory_space<semaphore_mem>>)
      %dma_wait3A = arith.constant 0 : i32
      %dma_wait3A_88 = arith.constant 0 : i32
      %dma_wait3A_89 = tpu.memref_slice %arg14[%dma_wait3A, %dma_wait3A_88] : memref<10240x128xf32, #tpu.memory_space<vmem_shared>> -> memref<10240x128xf32, #tpu.memory_space<vmem_shared>>
      tpu.wait_indirect_dma semaphore(%run_scoped3A : memref<!tpu.dma_semaphore, #tpu.memory_space<semaphore_mem>>) src(%dma_wait3A_89 : memref<10240x128xf32, #tpu.memory_space<vmem_shared>>) dst(%arg13 : memref<128x128xf32, #tpu.memory_space<vmem>>)
      tpu.yield
    }) : () -> ()
    %add3A_34 = arith.constant 256 : i32
    %add3A_35 = arith.addi %add3A_7, %add3A_34 : i32
    "tpu.region"() ({
      %run_scoped3A = tpu.sem_alloc : memref<!tpu.dma_semaphore, #tpu.memory_space<semaphore_mem>>
      %dma_start3A = arith.constant 0 : i32
      %dma_start3A_86 = tpu.memref_slice %arg8[%add3A_35, %dma_start3A] : memref<20480x128xf32, #tpu.memory_space<hbm>> -> memref<128x128xf32, #tpu.memory_space<hbm>>
      %dma_start3A_87 = arith.constant 0 : i32
      %dma_start3A_88 = tpu.memref_slice %arg8[%add3A_35, %dma_start3A_87] : memref<20480x128xf32, #tpu.memory_space<hbm>> -> memref<128x128xf32, #tpu.memory_space<hbm>>
      tpu.enqueue_dma source(%arg13 : memref<128x128xf32, #tpu.memory_space<vmem>>) target(%dma_start3A_88 : memref<128x128xf32, #tpu.memory_space<hbm>>) target_semaphore(%run_scoped3A : memref<!tpu.dma_semaphore, #tpu.memory_space<semaphore_mem>>)
      %dma_wait3A = arith.constant 0 : i32
      %dma_wait3A_89 = tpu.memref_slice %arg8[%add3A_35, %dma_wait3A] : memref<20480x128xf32, #tpu.memory_space<hbm>> -> memref<128x128xf32, #tpu.memory_space<hbm>>
      %dma_wait3A_90 = arith.constant 0 : i32
      %dma_wait3A_91 = tpu.memref_slice %arg8[%add3A_35, %dma_wait3A_90] : memref<20480x128xf32, #tpu.memory_space<hbm>> -> memref<128x128xf32, #tpu.memory_space<hbm>>
      tpu.wait_dma2 semaphore(%run_scoped3A : memref<!tpu.dma_semaphore, #tpu.memory_space<semaphore_mem>>) src(%arg13 : memref<128x128xf32, #tpu.memory_space<vmem>>) dst(%dma_wait3A_91 : memref<128x128xf32, #tpu.memory_space<hbm>>)
      tpu.yield
    }) : () -> ()
    %add3A_36 = arith.constant 384 : i32
    %add3A_37 = arith.addi %mul3A_2, %add3A_36 : i32
    "tpu.region"() ({
      %run_scoped3A = tpu.sem_alloc : memref<!tpu.dma_semaphore, #tpu.memory_space<semaphore_mem>>
      %dma_start3A = tpu.memref_slice %arg7[%add3A_37] : memref<10240xi32, #tpu.memory_space<hbm>> -> memref<128xi32, #tpu.memory_space<hbm>>
      %dma_start3A_86 = tpu.memref_slice %arg7[%add3A_37] : memref<10240xi32, #tpu.memory_space<hbm>> -> memref<128xi32, #tpu.memory_space<hbm>>
      tpu.enqueue_dma source(%dma_start3A_86 : memref<128xi32, #tpu.memory_space<hbm>>) target(%arg11 : memref<128xi32, #tpu.memory_space<vmem>>) target_semaphore(%run_scoped3A : memref<!tpu.dma_semaphore, #tpu.memory_space<semaphore_mem>>)
      %dma_wait3A = tpu.memref_slice %arg7[%add3A_37] : memref<10240xi32, #tpu.memory_space<hbm>> -> memref<128xi32, #tpu.memory_space<hbm>>
      %dma_wait3A_87 = tpu.memref_slice %arg7[%add3A_37] : memref<10240xi32, #tpu.memory_space<hbm>> -> memref<128xi32, #tpu.memory_space<hbm>>
      tpu.wait_dma2 semaphore(%run_scoped3A : memref<!tpu.dma_semaphore, #tpu.memory_space<semaphore_mem>>) src(%dma_wait3A_87 : memref<128xi32, #tpu.memory_space<hbm>>) dst(%arg11 : memref<128xi32, #tpu.memory_space<vmem>>)
      tpu.yield
    }) : () -> ()
    "tpu.region"() ({
      %run_scoped3A = tpu.sem_alloc : memref<!tpu.dma_semaphore, #tpu.memory_space<semaphore_mem>>
      %dma_start3A = arith.constant 0 : i32
      %dma_start3A_86 = arith.constant 0 : i32
      %dma_start3A_87 = tpu.memref_slice %arg14[%dma_start3A, %dma_start3A_86] : memref<10240x128xf32, #tpu.memory_space<vmem_shared>> -> memref<10240x128xf32, #tpu.memory_space<vmem_shared>>
      tpu.enqueue_indirect_dma source(%dma_start3A_87 : memref<10240x128xf32, #tpu.memory_space<vmem_shared>>) target(%arg13 : memref<128x128xf32, #tpu.memory_space<vmem>>) offsets(%arg11 : memref<128xi32, #tpu.memory_space<vmem>>) semaphore(%run_scoped3A : memref<!tpu.dma_semaphore, #tpu.memory_space<semaphore_mem>>)
      %dma_wait3A = arith.constant 0 : i32
      %dma_wait3A_88 = arith.constant 0 : i32
      %dma_wait3A_89 = tpu.memref_slice %arg14[%dma_wait3A, %dma_wait3A_88] : memref<10240x128xf32, #tpu.memory_space<vmem_shared>> -> memref<10240x128xf32, #tpu.memory_space<vmem_shared>>
      tpu.wait_indirect_dma semaphore(%run_scoped3A : memref<!tpu.dma_semaphore, #tpu.memory_space<semaphore_mem>>) src(%dma_wait3A_89 : memref<10240x128xf32, #tpu.memory_space<vmem_shared>>) dst(%arg13 : memref<128x128xf32, #tpu.memory_space<vmem>>)
      tpu.yield
    }) : () -> ()
    %add3A_38 = arith.constant 384 : i32
    %add3A_39 = arith.addi %add3A_7, %add3A_38 : i32
    "tpu.region"() ({
      %run_scoped3A = tpu.sem_alloc : memref<!tpu.dma_semaphore, #tpu.memory_space<semaphore_mem>>
      %dma_start3A = arith.constant 0 : i32
      %dma_start3A_86 = tpu.memref_slice %arg8[%add3A_39, %dma_start3A] : memref<20480x128xf32, #tpu.memory_space<hbm>> -> memref<128x128xf32, #tpu.memory_space<hbm>>
      %dma_start3A_87 = arith.constant 0 : i32
      %dma_start3A_88 = tpu.memref_slice %arg8[%add3A_39, %dma_start3A_87] : memref<20480x128xf32, #tpu.memory_space<hbm>> -> memref<128x128xf32, #tpu.memory_space<hbm>>
      tpu.enqueue_dma source(%arg13 : memref<128x128xf32, #tpu.memory_space<vmem>>) target(%dma_start3A_88 : memref<128x128xf32, #tpu.memory_space<hbm>>) target_semaphore(%run_scoped3A : memref<!tpu.dma_semaphore, #tpu.memory_space<semaphore_mem>>)
      %dma_wait3A = arith.constant 0 : i32
      %dma_wait3A_89 = tpu.memref_slice %arg8[%add3A_39, %dma_wait3A] : memref<20480x128xf32, #tpu.memory_space<hbm>> -> memref<128x128xf32, #tpu.memory_space<hbm>>
      %dma_wait3A_90 = arith.constant 0 : i32
      %dma_wait3A_91 = tpu.memref_slice %arg8[%add3A_39, %dma_wait3A_90] : memref<20480x128xf32, #tpu.memory_space<hbm>> -> memref<128x128xf32, #tpu.memory_space<hbm>>
      tpu.wait_dma2 semaphore(%run_scoped3A : memref<!tpu.dma_semaphore, #tpu.memory_space<semaphore_mem>>) src(%arg13 : memref<128x128xf32, #tpu.memory_space<vmem>>) dst(%dma_wait3A_91 : memref<128x128xf32, #tpu.memory_space<hbm>>)
      tpu.yield
    }) : () -> ()
    %add3A_40 = arith.constant 512 : i32
    %add3A_41 = arith.addi %mul3A_2, %add3A_40 : i32
    "tpu.region"() ({
      %run_scoped3A = tpu.sem_alloc : memref<!tpu.dma_semaphore, #tpu.memory_space<semaphore_mem>>
      %dma_start3A = tpu.memref_slice %arg7[%add3A_41] : memref<10240xi32, #tpu.memory_space<hbm>> -> memref<128xi32, #tpu.memory_space<hbm>>
      %dma_start3A_86 = tpu.memref_slice %arg7[%add3A_41] : memref<10240xi32, #tpu.memory_space<hbm>> -> memref<128xi32, #tpu.memory_space<hbm>>
      tpu.enqueue_dma source(%dma_start3A_86 : memref<128xi32, #tpu.memory_space<hbm>>) target(%arg11 : memref<128xi32, #tpu.memory_space<vmem>>) target_semaphore(%run_scoped3A : memref<!tpu.dma_semaphore, #tpu.memory_space<semaphore_mem>>)
      %dma_wait3A = tpu.memref_slice %arg7[%add3A_41] : memref<10240xi32, #tpu.memory_space<hbm>> -> memref<128xi32, #tpu.memory_space<hbm>>
      %dma_wait3A_87 = tpu.memref_slice %arg7[%add3A_41] : memref<10240xi32, #tpu.memory_space<hbm>> -> memref<128xi32, #tpu.memory_space<hbm>>
      tpu.wait_dma2 semaphore(%run_scoped3A : memref<!tpu.dma_semaphore, #tpu.memory_space<semaphore_mem>>) src(%dma_wait3A_87 : memref<128xi32, #tpu.memory_space<hbm>>) dst(%arg11 : memref<128xi32, #tpu.memory_space<vmem>>)
      tpu.yield
    }) : () -> ()
    "tpu.region"() ({
      %run_scoped3A = tpu.sem_alloc : memref<!tpu.dma_semaphore, #tpu.memory_space<semaphore_mem>>
      %dma_start3A = arith.constant 0 : i32
      %dma_start3A_86 = arith.constant 0 : i32
      %dma_start3A_87 = tpu.memref_slice %arg14[%dma_start3A, %dma_start3A_86] : memref<10240x128xf32, #tpu.memory_space<vmem_shared>> -> memref<10240x128xf32, #tpu.memory_space<vmem_shared>>
      tpu.enqueue_indirect_dma source(%dma_start3A_87 : memref<10240x128xf32, #tpu.memory_space<vmem_shared>>) target(%arg13 : memref<128x128xf32, #tpu.memory_space<vmem>>) offsets(%arg11 : memref<128xi32, #tpu.memory_space<vmem>>) semaphore(%run_scoped3A : memref<!tpu.dma_semaphore, #tpu.memory_space<semaphore_mem>>)
      %dma_wait3A = arith.constant 0 : i32
      %dma_wait3A_88 = arith.constant 0 : i32
      %dma_wait3A_89 = tpu.memref_slice %arg14[%dma_wait3A, %dma_wait3A_88] : memref<10240x128xf32, #tpu.memory_space<vmem_shared>> -> memref<10240x128xf32, #tpu.memory_space<vmem_shared>>
      tpu.wait_indirect_dma semaphore(%run_scoped3A : memref<!tpu.dma_semaphore, #tpu.memory_space<semaphore_mem>>) src(%dma_wait3A_89 : memref<10240x128xf32, #tpu.memory_space<vmem_shared>>) dst(%arg13 : memref<128x128xf32, #tpu.memory_space<vmem>>)
      tpu.yield
    }) : () -> ()
    %add3A_42 = arith.constant 512 : i32
    %add3A_43 = arith.addi %add3A_7, %add3A_42 : i32
    "tpu.region"() ({
      %run_scoped3A = tpu.sem_alloc : memref<!tpu.dma_semaphore, #tpu.memory_space<semaphore_mem>>
      %dma_start3A = arith.constant 0 : i32
      %dma_start3A_86 = tpu.memref_slice %arg8[%add3A_43, %dma_start3A] : memref<20480x128xf32, #tpu.memory_space<hbm>> -> memref<128x128xf32, #tpu.memory_space<hbm>>
      %dma_start3A_87 = arith.constant 0 : i32
      %dma_start3A_88 = tpu.memref_slice %arg8[%add3A_43, %dma_start3A_87] : memref<20480x128xf32, #tpu.memory_space<hbm>> -> memref<128x128xf32, #tpu.memory_space<hbm>>
      tpu.enqueue_dma source(%arg13 : memref<128x128xf32, #tpu.memory_space<vmem>>) target(%dma_start3A_88 : memref<128x128xf32, #tpu.memory_space<hbm>>) target_semaphore(%run_scoped3A : memref<!tpu.dma_semaphore, #tpu.memory_space<semaphore_mem>>)
      %dma_wait3A = arith.constant 0 : i32
      %dma_wait3A_89 = tpu.memref_slice %arg8[%add3A_43, %dma_wait3A] : memref<20480x128xf32, #tpu.memory_space<hbm>> -> memref<128x128xf32, #tpu.memory_space<hbm>>
      %dma_wait3A_90 = arith.constant 0 : i32
      %dma_wait3A_91 = tpu.memref_slice %arg8[%add3A_43, %dma_wait3A_90] : memref<20480x128xf32, #tpu.memory_space<hbm>> -> memref<128x128xf32, #tpu.memory_space<hbm>>
      tpu.wait_dma2 semaphore(%run_scoped3A : memref<!tpu.dma_semaphore, #tpu.memory_space<semaphore_mem>>) src(%arg13 : memref<128x128xf32, #tpu.memory_space<vmem>>) dst(%dma_wait3A_91 : memref<128x128xf32, #tpu.memory_space<hbm>>)
      tpu.yield
    }) : () -> ()
    %barrier3A_44 = arith.constant 0 : index
    tpu.barrier barrier_id(%barrier3A_44)
    "tpu.region"() ({
      %run_scoped3A = tpu.sem_alloc : memref<!tpu.dma_semaphore, #tpu.memory_space<semaphore_mem>>
      tpu.enqueue_dma source(%arg5 : memref<128x128xf32, #tpu.memory_space<hbm>>) target(%arg13 : memref<128x128xf32, #tpu.memory_space<vmem>>) target_semaphore(%run_scoped3A : memref<!tpu.dma_semaphore, #tpu.memory_space<semaphore_mem>>)
      tpu.wait_dma2 semaphore(%run_scoped3A : memref<!tpu.dma_semaphore, #tpu.memory_space<semaphore_mem>>) src(%arg5 : memref<128x128xf32, #tpu.memory_space<hbm>>) dst(%arg13 : memref<128x128xf32, #tpu.memory_space<vmem>>)
      tpu.yield
    }) : () -> ()
    %add3A_45 = arith.constant 0 : i32
    %add3A_46 = arith.addi %mul3A_2, %add3A_45 : i32
    "tpu.region"() ({
      %run_scoped3A = tpu.sem_alloc : memref<!tpu.dma_semaphore, #tpu.memory_space<semaphore_mem>>
      %dma_start3A = tpu.memref_slice %arg7[%add3A_46] : memref<10240xi32, #tpu.memory_space<hbm>> -> memref<128xi32, #tpu.memory_space<hbm>>
      %dma_start3A_86 = tpu.memref_slice %arg7[%add3A_46] : memref<10240xi32, #tpu.memory_space<hbm>> -> memref<128xi32, #tpu.memory_space<hbm>>
      tpu.enqueue_dma source(%dma_start3A_86 : memref<128xi32, #tpu.memory_space<hbm>>) target(%arg11 : memref<128xi32, #tpu.memory_space<vmem>>) target_semaphore(%run_scoped3A : memref<!tpu.dma_semaphore, #tpu.memory_space<semaphore_mem>>)
      %dma_wait3A = tpu.memref_slice %arg7[%add3A_46] : memref<10240xi32, #tpu.memory_space<hbm>> -> memref<128xi32, #tpu.memory_space<hbm>>
      %dma_wait3A_87 = tpu.memref_slice %arg7[%add3A_46] : memref<10240xi32, #tpu.memory_space<hbm>> -> memref<128xi32, #tpu.memory_space<hbm>>
      tpu.wait_dma2 semaphore(%run_scoped3A : memref<!tpu.dma_semaphore, #tpu.memory_space<semaphore_mem>>) src(%dma_wait3A_87 : memref<128xi32, #tpu.memory_space<hbm>>) dst(%arg11 : memref<128xi32, #tpu.memory_space<vmem>>)
      tpu.yield
    }) : () -> ()
    "tpu.region"() ({
      %run_scoped3A = tpu.sem_alloc : memref<!tpu.dma_semaphore, #tpu.memory_space<semaphore_mem>>
      %dma_start3A = arith.constant 0 : i32
      %dma_start3A_86 = arith.constant 0 : i32
      %dma_start3A_87 = tpu.memref_slice %arg14[%dma_start3A, %dma_start3A_86] : memref<10240x128xf32, #tpu.memory_space<vmem_shared>> -> memref<10240x128xf32, #tpu.memory_space<vmem_shared>>
      tpu.enqueue_indirect_dma source(%arg13 : memref<128x128xf32, #tpu.memory_space<vmem>>) target(%dma_start3A_87 : memref<10240x128xf32, #tpu.memory_space<vmem_shared>>) offsets(%arg11 : memref<128xi32, #tpu.memory_space<vmem>>) semaphore(%run_scoped3A : memref<!tpu.dma_semaphore, #tpu.memory_space<semaphore_mem>>)
      %dma_wait3A = arith.constant 0 : i32
      %dma_wait3A_88 = arith.constant 0 : i32
      %dma_wait3A_89 = tpu.memref_slice %arg14[%dma_wait3A, %dma_wait3A_88] : memref<10240x128xf32, #tpu.memory_space<vmem_shared>> -> memref<10240x128xf32, #tpu.memory_space<vmem_shared>>
      tpu.wait_indirect_dma semaphore(%run_scoped3A : memref<!tpu.dma_semaphore, #tpu.memory_space<semaphore_mem>>) src(%arg13 : memref<128x128xf32, #tpu.memory_space<vmem>>) dst(%dma_wait3A_89 : memref<10240x128xf32, #tpu.memory_space<vmem_shared>>)
      tpu.yield
    }) : () -> ()
    %add3A_47 = arith.constant 128 : i32
    %add3A_48 = arith.addi %mul3A_2, %add3A_47 : i32
    "tpu.region"() ({
      %run_scoped3A = tpu.sem_alloc : memref<!tpu.dma_semaphore, #tpu.memory_space<semaphore_mem>>
      %dma_start3A = tpu.memref_slice %arg7[%add3A_48] : memref<10240xi32, #tpu.memory_space<hbm>> -> memref<128xi32, #tpu.memory_space<hbm>>
      %dma_start3A_86 = tpu.memref_slice %arg7[%add3A_48] : memref<10240xi32, #tpu.memory_space<hbm>> -> memref<128xi32, #tpu.memory_space<hbm>>
      tpu.enqueue_dma source(%dma_start3A_86 : memref<128xi32, #tpu.memory_space<hbm>>) target(%arg11 : memref<128xi32, #tpu.memory_space<vmem>>) target_semaphore(%run_scoped3A : memref<!tpu.dma_semaphore, #tpu.memory_space<semaphore_mem>>)
      %dma_wait3A = tpu.memref_slice %arg7[%add3A_48] : memref<10240xi32, #tpu.memory_space<hbm>> -> memref<128xi32, #tpu.memory_space<hbm>>
      %dma_wait3A_87 = tpu.memref_slice %arg7[%add3A_48] : memref<10240xi32, #tpu.memory_space<hbm>> -> memref<128xi32, #tpu.memory_space<hbm>>
      tpu.wait_dma2 semaphore(%run_scoped3A : memref<!tpu.dma_semaphore, #tpu.memory_space<semaphore_mem>>) src(%dma_wait3A_87 : memref<128xi32, #tpu.memory_space<hbm>>) dst(%arg11 : memref<128xi32, #tpu.memory_space<vmem>>)
      tpu.yield
    }) : () -> ()
    "tpu.region"() ({
      %run_scoped3A = tpu.sem_alloc : memref<!tpu.dma_semaphore, #tpu.memory_space<semaphore_mem>>
      %dma_start3A = arith.constant 0 : i32
      %dma_start3A_86 = arith.constant 0 : i32
      %dma_start3A_87 = tpu.memref_slice %arg14[%dma_start3A, %dma_start3A_86] : memref<10240x128xf32, #tpu.memory_space<vmem_shared>> -> memref<10240x128xf32, #tpu.memory_space<vmem_shared>>
      tpu.enqueue_indirect_dma source(%arg13 : memref<128x128xf32, #tpu.memory_space<vmem>>) target(%dma_start3A_87 : memref<10240x128xf32, #tpu.memory_space<vmem_shared>>) offsets(%arg11 : memref<128xi32, #tpu.memory_space<vmem>>) semaphore(%run_scoped3A : memref<!tpu.dma_semaphore, #tpu.memory_space<semaphore_mem>>)
      %dma_wait3A = arith.constant 0 : i32
      %dma_wait3A_88 = arith.constant 0 : i32
      %dma_wait3A_89 = tpu.memref_slice %arg14[%dma_wait3A, %dma_wait3A_88] : memref<10240x128xf32, #tpu.memory_space<vmem_shared>> -> memref<10240x128xf32, #tpu.memory_space<vmem_shared>>
      tpu.wait_indirect_dma semaphore(%run_scoped3A : memref<!tpu.dma_semaphore, #tpu.memory_space<semaphore_mem>>) src(%arg13 : memref<128x128xf32, #tpu.memory_space<vmem>>) dst(%dma_wait3A_89 : memref<10240x128xf32, #tpu.memory_space<vmem_shared>>)
      tpu.yield
    }) : () -> ()
    %add3A_49 = arith.constant 256 : i32
    %add3A_50 = arith.addi %mul3A_2, %add3A_49 : i32
    "tpu.region"() ({
      %run_scoped3A = tpu.sem_alloc : memref<!tpu.dma_semaphore, #tpu.memory_space<semaphore_mem>>
      %dma_start3A = tpu.memref_slice %arg7[%add3A_50] : memref<10240xi32, #tpu.memory_space<hbm>> -> memref<128xi32, #tpu.memory_space<hbm>>
      %dma_start3A_86 = tpu.memref_slice %arg7[%add3A_50] : memref<10240xi32, #tpu.memory_space<hbm>> -> memref<128xi32, #tpu.memory_space<hbm>>
      tpu.enqueue_dma source(%dma_start3A_86 : memref<128xi32, #tpu.memory_space<hbm>>) target(%arg11 : memref<128xi32, #tpu.memory_space<vmem>>) target_semaphore(%run_scoped3A : memref<!tpu.dma_semaphore, #tpu.memory_space<semaphore_mem>>)
      %dma_wait3A = tpu.memref_slice %arg7[%add3A_50] : memref<10240xi32, #tpu.memory_space<hbm>> -> memref<128xi32, #tpu.memory_space<hbm>>
      %dma_wait3A_87 = tpu.memref_slice %arg7[%add3A_50] : memref<10240xi32, #tpu.memory_space<hbm>> -> memref<128xi32, #tpu.memory_space<hbm>>
      tpu.wait_dma2 semaphore(%run_scoped3A : memref<!tpu.dma_semaphore, #tpu.memory_space<semaphore_mem>>) src(%dma_wait3A_87 : memref<128xi32, #tpu.memory_space<hbm>>) dst(%arg11 : memref<128xi32, #tpu.memory_space<vmem>>)
      tpu.yield
    }) : () -> ()
    "tpu.region"() ({
      %run_scoped3A = tpu.sem_alloc : memref<!tpu.dma_semaphore, #tpu.memory_space<semaphore_mem>>
      %dma_start3A = arith.constant 0 : i32
      %dma_start3A_86 = arith.constant 0 : i32
      %dma_start3A_87 = tpu.memref_slice %arg14[%dma_start3A, %dma_start3A_86] : memref<10240x128xf32, #tpu.memory_space<vmem_shared>> -> memref<10240x128xf32, #tpu.memory_space<vmem_shared>>
      tpu.enqueue_indirect_dma source(%arg13 : memref<128x128xf32, #tpu.memory_space<vmem>>) target(%dma_start3A_87 : memref<10240x128xf32, #tpu.memory_space<vmem_shared>>) offsets(%arg11 : memref<128xi32, #tpu.memory_space<vmem>>) semaphore(%run_scoped3A : memref<!tpu.dma_semaphore, #tpu.memory_space<semaphore_mem>>)
      %dma_wait3A = arith.constant 0 : i32
      %dma_wait3A_88 = arith.constant 0 : i32
      %dma_wait3A_89 = tpu.memref_slice %arg14[%dma_wait3A, %dma_wait3A_88] : memref<10240x128xf32, #tpu.memory_space<vmem_shared>> -> memref<10240x128xf32, #tpu.memory_space<vmem_shared>>
      tpu.wait_indirect_dma semaphore(%run_scoped3A : memref<!tpu.dma_semaphore, #tpu.memory_space<semaphore_mem>>) src(%arg13 : memref<128x128xf32, #tpu.memory_space<vmem>>) dst(%dma_wait3A_89 : memref<10240x128xf32, #tpu.memory_space<vmem_shared>>)
      tpu.yield
    }) : () -> ()
    %add3A_51 = arith.constant 384 : i32
    %add3A_52 = arith.addi %mul3A_2, %add3A_51 : i32
    "tpu.region"() ({
      %run_scoped3A = tpu.sem_alloc : memref<!tpu.dma_semaphore, #tpu.memory_space<semaphore_mem>>
      %dma_start3A = tpu.memref_slice %arg7[%add3A_52] : memref<10240xi32, #tpu.memory_space<hbm>> -> memref<128xi32, #tpu.memory_space<hbm>>
      %dma_start3A_86 = tpu.memref_slice %arg7[%add3A_52] : memref<10240xi32, #tpu.memory_space<hbm>> -> memref<128xi32, #tpu.memory_space<hbm>>
      tpu.enqueue_dma source(%dma_start3A_86 : memref<128xi32, #tpu.memory_space<hbm>>) target(%arg11 : memref<128xi32, #tpu.memory_space<vmem>>) target_semaphore(%run_scoped3A : memref<!tpu.dma_semaphore, #tpu.memory_space<semaphore_mem>>)
      %dma_wait3A = tpu.memref_slice %arg7[%add3A_52] : memref<10240xi32, #tpu.memory_space<hbm>> -> memref<128xi32, #tpu.memory_space<hbm>>
      %dma_wait3A_87 = tpu.memref_slice %arg7[%add3A_52] : memref<10240xi32, #tpu.memory_space<hbm>> -> memref<128xi32, #tpu.memory_space<hbm>>
      tpu.wait_dma2 semaphore(%run_scoped3A : memref<!tpu.dma_semaphore, #tpu.memory_space<semaphore_mem>>) src(%dma_wait3A_87 : memref<128xi32, #tpu.memory_space<hbm>>) dst(%arg11 : memref<128xi32, #tpu.memory_space<vmem>>)
      tpu.yield
    }) : () -> ()
    "tpu.region"() ({
      %run_scoped3A = tpu.sem_alloc : memref<!tpu.dma_semaphore, #tpu.memory_space<semaphore_mem>>
      %dma_start3A = arith.constant 0 : i32
      %dma_start3A_86 = arith.constant 0 : i32
      %dma_start3A_87 = tpu.memref_slice %arg14[%dma_start3A, %dma_start3A_86] : memref<10240x128xf32, #tpu.memory_space<vmem_shared>> -> memref<10240x128xf32, #tpu.memory_space<vmem_shared>>
      tpu.enqueue_indirect_dma source(%arg13 : memref<128x128xf32, #tpu.memory_space<vmem>>) target(%dma_start3A_87 : memref<10240x128xf32, #tpu.memory_space<vmem_shared>>) offsets(%arg11 : memref<128xi32, #tpu.memory_space<vmem>>) semaphore(%run_scoped3A : memref<!tpu.dma_semaphore, #tpu.memory_space<semaphore_mem>>)
      %dma_wait3A = arith.constant 0 : i32
      %dma_wait3A_88 = arith.constant 0 : i32
      %dma_wait3A_89 = tpu.memref_slice %arg14[%dma_wait3A, %dma_wait3A_88] : memref<10240x128xf32, #tpu.memory_space<vmem_shared>> -> memref<10240x128xf32, #tpu.memory_space<vmem_shared>>
      tpu.wait_indirect_dma semaphore(%run_scoped3A : memref<!tpu.dma_semaphore, #tpu.memory_space<semaphore_mem>>) src(%arg13 : memref<128x128xf32, #tpu.memory_space<vmem>>) dst(%dma_wait3A_89 : memref<10240x128xf32, #tpu.memory_space<vmem_shared>>)
      tpu.yield
    }) : () -> ()
    %add3A_53 = arith.constant 512 : i32
    %add3A_54 = arith.addi %mul3A_2, %add3A_53 : i32
    "tpu.region"() ({
      %run_scoped3A = tpu.sem_alloc : memref<!tpu.dma_semaphore, #tpu.memory_space<semaphore_mem>>
      %dma_start3A = tpu.memref_slice %arg7[%add3A_54] : memref<10240xi32, #tpu.memory_space<hbm>> -> memref<128xi32, #tpu.memory_space<hbm>>
      %dma_start3A_86 = tpu.memref_slice %arg7[%add3A_54] : memref<10240xi32, #tpu.memory_space<hbm>> -> memref<128xi32, #tpu.memory_space<hbm>>
      tpu.enqueue_dma source(%dma_start3A_86 : memref<128xi32, #tpu.memory_space<hbm>>) target(%arg11 : memref<128xi32, #tpu.memory_space<vmem>>) target_semaphore(%run_scoped3A : memref<!tpu.dma_semaphore, #tpu.memory_space<semaphore_mem>>)
      %dma_wait3A = tpu.memref_slice %arg7[%add3A_54] : memref<10240xi32, #tpu.memory_space<hbm>> -> memref<128xi32, #tpu.memory_space<hbm>>
      %dma_wait3A_87 = tpu.memref_slice %arg7[%add3A_54] : memref<10240xi32, #tpu.memory_space<hbm>> -> memref<128xi32, #tpu.memory_space<hbm>>
      tpu.wait_dma2 semaphore(%run_scoped3A : memref<!tpu.dma_semaphore, #tpu.memory_space<semaphore_mem>>) src(%dma_wait3A_87 : memref<128xi32, #tpu.memory_space<hbm>>) dst(%arg11 : memref<128xi32, #tpu.memory_space<vmem>>)
      tpu.yield
    }) : () -> ()
    "tpu.region"() ({
      %run_scoped3A = tpu.sem_alloc : memref<!tpu.dma_semaphore, #tpu.memory_space<semaphore_mem>>
      %dma_start3A = arith.constant 0 : i32
      %dma_start3A_86 = arith.constant 0 : i32
      %dma_start3A_87 = tpu.memref_slice %arg14[%dma_start3A, %dma_start3A_86] : memref<10240x128xf32, #tpu.memory_space<vmem_shared>> -> memref<10240x128xf32, #tpu.memory_space<vmem_shared>>
      tpu.enqueue_indirect_dma source(%arg13 : memref<128x128xf32, #tpu.memory_space<vmem>>) target(%dma_start3A_87 : memref<10240x128xf32, #tpu.memory_space<vmem_shared>>) offsets(%arg11 : memref<128xi32, #tpu.memory_space<vmem>>) semaphore(%run_scoped3A : memref<!tpu.dma_semaphore, #tpu.memory_space<semaphore_mem>>)
      %dma_wait3A = arith.constant 0 : i32
      %dma_wait3A_88 = arith.constant 0 : i32
      %dma_wait3A_89 = tpu.memref_slice %arg14[%dma_wait3A, %dma_wait3A_88] : memref<10240x128xf32, #tpu.memory_space<vmem_shared>> -> memref<10240x128xf32, #tpu.memory_space<vmem_shared>>
      tpu.wait_indirect_dma semaphore(%run_scoped3A : memref<!tpu.dma_semaphore, #tpu.memory_space<semaphore_mem>>) src(%arg13 : memref<128x128xf32, #tpu.memory_space<vmem>>) dst(%dma_wait3A_89 : memref<10240x128xf32, #tpu.memory_space<vmem_shared>>)
      tpu.yield
    }) : () -> ()
    %barrier3A_55 = arith.constant 0 : index
    tpu.barrier barrier_id(%barrier3A_55)
    "tpu.region"() ({
      %run_scoped3A = tpu.sem_alloc : memref<!tpu.dma_semaphore, #tpu.memory_space<semaphore_mem>>
      tpu.enqueue_dma source(%arg6 : memref<128x128xf32, #tpu.memory_space<hbm>>) target(%arg13 : memref<128x128xf32, #tpu.memory_space<vmem>>) target_semaphore(%run_scoped3A : memref<!tpu.dma_semaphore, #tpu.memory_space<semaphore_mem>>)
      tpu.wait_dma2 semaphore(%run_scoped3A : memref<!tpu.dma_semaphore, #tpu.memory_space<semaphore_mem>>) src(%arg6 : memref<128x128xf32, #tpu.memory_space<hbm>>) dst(%arg13 : memref<128x128xf32, #tpu.memory_space<vmem>>)
      tpu.yield
    }) : () -> ()
    %scan3A_56 = arith.constant 0 : i32
    %scan3A_57 = arith.constant 0 : i32
    %scan3A_58 = arith.constant 39 : i32
    %scan3A_59 = arith.addi %scan3A_57, %scan3A_58 : i32
    %scan3A_60 = arith.constant 1 : i32
    scf.for %scan3A_86 = %scan3A_57 to %scan3A_59 step %scan3A_60  : i32 {
      %mul3A_87 = arith.constant 2 : i32
      %mul3A_88 = arith.muli %mul3A_87, %scan3A_86 : i32
      %mul3A_89 = arith.constant 128 : i32
      %mul3A_90 = arith.muli %mul3A_88, %mul3A_89 : i32
      %add3A_91 = arith.addi %mul3A_4, %mul3A_90 : i32
      %dma_start3A = tpu.memref_slice %arg3[%add3A_91] : memref<323584xi32, #tpu.memory_space<hbm>> -> memref<128xi32, #tpu.memory_space<hbm>>
      %dma_start3A_92 = tpu.memref_slice %arg3[%add3A_91] : memref<323584xi32, #tpu.memory_space<hbm>> -> memref<128xi32, #tpu.memory_space<hbm>>
      tpu.enqueue_dma source(%dma_start3A_92 : memref<128xi32, #tpu.memory_space<hbm>>) target(%arg11 : memref<128xi32, #tpu.memory_space<vmem>>) target_semaphore(%arg15 : memref<!tpu.dma_semaphore, #tpu.memory_space<semaphore_mem>>)
      %add3A_93 = arith.constant 128 : i32
      %add3A_94 = arith.addi %add3A_91, %add3A_93 : i32
      %dma_start3A_95 = tpu.memref_slice %arg3[%add3A_94] : memref<323584xi32, #tpu.memory_space<hbm>> -> memref<128xi32, #tpu.memory_space<hbm>>
      %dma_start3A_96 = tpu.memref_slice %arg3[%add3A_94] : memref<323584xi32, #tpu.memory_space<hbm>> -> memref<128xi32, #tpu.memory_space<hbm>>
      tpu.enqueue_dma source(%dma_start3A_96 : memref<128xi32, #tpu.memory_space<hbm>>) target(%arg12 : memref<128xi32, #tpu.memory_space<vmem>>) target_semaphore(%arg16 : memref<!tpu.dma_semaphore, #tpu.memory_space<semaphore_mem>>)
      %dma_wait3A = tpu.memref_slice %arg3[%add3A_91] : memref<323584xi32, #tpu.memory_space<hbm>> -> memref<128xi32, #tpu.memory_space<hbm>>
      %dma_wait3A_97 = tpu.memref_slice %arg3[%add3A_91] : memref<323584xi32, #tpu.memory_space<hbm>> -> memref<128xi32, #tpu.memory_space<hbm>>
      tpu.wait_dma2 semaphore(%arg15 : memref<!tpu.dma_semaphore, #tpu.memory_space<semaphore_mem>>) src(%dma_wait3A_97 : memref<128xi32, #tpu.memory_space<hbm>>) dst(%arg11 : memref<128xi32, #tpu.memory_space<vmem>>)
      "tpu.region"() ({
        %run_scoped3A = tpu.sem_alloc : memref<!tpu.dma_semaphore, #tpu.memory_space<semaphore_mem>>
        %dma_start3A_100 = arith.constant 0 : i32
        %dma_start3A_101 = arith.constant 0 : i32
        %dma_start3A_102 = tpu.memref_slice %arg14[%dma_start3A_100, %dma_start3A_101] : memref<10240x128xf32, #tpu.memory_space<vmem_shared>> -> memref<10240x128xf32, #tpu.memory_space<vmem_shared>>
        tpu.enqueue_indirect_dma source(%arg13 : memref<128x128xf32, #tpu.memory_space<vmem>>) target(%dma_start3A_102 : memref<10240x128xf32, #tpu.memory_space<vmem_shared>>) offsets(%arg11 : memref<128xi32, #tpu.memory_space<vmem>>) semaphore(%run_scoped3A : memref<!tpu.dma_semaphore, #tpu.memory_space<semaphore_mem>>) {add = true}
        %dma_wait3A_103 = arith.constant 0 : i32
        %dma_wait3A_104 = arith.constant 0 : i32
        %dma_wait3A_105 = tpu.memref_slice %arg14[%dma_wait3A_103, %dma_wait3A_104] : memref<10240x128xf32, #tpu.memory_space<vmem_shared>> -> memref<10240x128xf32, #tpu.memory_space<vmem_shared>>
        tpu.wait_indirect_dma semaphore(%run_scoped3A : memref<!tpu.dma_semaphore, #tpu.memory_space<semaphore_mem>>) src(%arg13 : memref<128x128xf32, #tpu.memory_space<vmem>>) dst(%dma_wait3A_105 : memref<10240x128xf32, #tpu.memory_space<vmem_shared>>)
        tpu.yield
      }) : () -> ()
      %dma_wait3A_98 = tpu.memref_slice %arg3[%add3A_94] : memref<323584xi32, #tpu.memory_space<hbm>> -> memref<128xi32, #tpu.memory_space<hbm>>
      %dma_wait3A_99 = tpu.memref_slice %arg3[%add3A_94] : memref<323584xi32, #tpu.memory_space<hbm>> -> memref<128xi32, #tpu.memory_space<hbm>>
      tpu.wait_dma2 semaphore(%arg16 : memref<!tpu.dma_semaphore, #tpu.memory_space<semaphore_mem>>) src(%dma_wait3A_99 : memref<128xi32, #tpu.memory_space<hbm>>) dst(%arg12 : memref<128xi32, #tpu.memory_space<vmem>>)
      "tpu.region"() ({
        %run_scoped3A = tpu.sem_alloc : memref<!tpu.dma_semaphore, #tpu.memory_space<semaphore_mem>>
        %dma_start3A_100 = arith.constant 0 : i32
        %dma_start3A_101 = arith.constant 0 : i32
        %dma_start3A_102 = tpu.memref_slice %arg14[%dma_start3A_100, %dma_start3A_101] : memref<10240x128xf32, #tpu.memory_space<vmem_shared>> -> memref<10240x128xf32, #tpu.memory_space<vmem_shared>>
        tpu.enqueue_indirect_dma source(%arg13 : memref<128x128xf32, #tpu.memory_space<vmem>>) target(%dma_start3A_102 : memref<10240x128xf32, #tpu.memory_space<vmem_shared>>) offsets(%arg12 : memref<128xi32, #tpu.memory_space<vmem>>) semaphore(%run_scoped3A : memref<!tpu.dma_semaphore, #tpu.memory_space<semaphore_mem>>) {add = true}
        %dma_wait3A_103 = arith.constant 0 : i32
        %dma_wait3A_104 = arith.constant 0 : i32
        %dma_wait3A_105 = tpu.memref_slice %arg14[%dma_wait3A_103, %dma_wait3A_104] : memref<10240x128xf32, #tpu.memory_space<vmem_shared>> -> memref<10240x128xf32, #tpu.memory_space<vmem_shared>>
        tpu.wait_indirect_dma semaphore(%run_scoped3A : memref<!tpu.dma_semaphore, #tpu.memory_space<semaphore_mem>>) src(%arg13 : memref<128x128xf32, #tpu.memory_space<vmem>>) dst(%dma_wait3A_105 : memref<10240x128xf32, #tpu.memory_space<vmem_shared>>)
        tpu.yield
      }) : () -> ()
    }
    %scan3A_61 = arith.constant 39 : i32
    %add3A_62 = arith.constant 9984 : i32
    %add3A_63 = arith.addi %mul3A_4, %add3A_62 : i32
    "tpu.region"() ({
      %run_scoped3A = tpu.sem_alloc : memref<!tpu.dma_semaphore, #tpu.memory_space<semaphore_mem>>
      %dma_start3A = tpu.memref_slice %arg3[%add3A_63] : memref<323584xi32, #tpu.memory_space<hbm>> -> memref<128xi32, #tpu.memory_space<hbm>>
      %dma_start3A_86 = tpu.memref_slice %arg3[%add3A_63] : memref<323584xi32, #tpu.memory_space<hbm>> -> memref<128xi32, #tpu.memory_space<hbm>>
      tpu.enqueue_dma source(%dma_start3A_86 : memref<128xi32, #tpu.memory_space<hbm>>) target(%arg11 : memref<128xi32, #tpu.memory_space<vmem>>) target_semaphore(%run_scoped3A : memref<!tpu.dma_semaphore, #tpu.memory_space<semaphore_mem>>)
      %dma_wait3A = tpu.memref_slice %arg3[%add3A_63] : memref<323584xi32, #tpu.memory_space<hbm>> -> memref<128xi32, #tpu.memory_space<hbm>>
      %dma_wait3A_87 = tpu.memref_slice %arg3[%add3A_63] : memref<323584xi32, #tpu.memory_space<hbm>> -> memref<128xi32, #tpu.memory_space<hbm>>
      tpu.wait_dma2 semaphore(%run_scoped3A : memref<!tpu.dma_semaphore, #tpu.memory_space<semaphore_mem>>) src(%dma_wait3A_87 : memref<128xi32, #tpu.memory_space<hbm>>) dst(%arg11 : memref<128xi32, #tpu.memory_space<vmem>>)
      tpu.yield
    }) : () -> ()
    "tpu.region"() ({
      %run_scoped3A = tpu.sem_alloc : memref<!tpu.dma_semaphore, #tpu.memory_space<semaphore_mem>>
      %dma_start3A = arith.constant 0 : i32
      %dma_start3A_86 = arith.constant 0 : i32
      %dma_start3A_87 = tpu.memref_slice %arg14[%dma_start3A, %dma_start3A_86] : memref<10240x128xf32, #tpu.memory_space<vmem_shared>> -> memref<10240x128xf32, #tpu.memory_space<vmem_shared>>
      tpu.enqueue_indirect_dma source(%arg13 : memref<128x128xf32, #tpu.memory_space<vmem>>) target(%dma_start3A_87 : memref<10240x128xf32, #tpu.memory_space<vmem_shared>>) offsets(%arg11 : memref<128xi32, #tpu.memory_space<vmem>>) semaphore(%run_scoped3A : memref<!tpu.dma_semaphore, #tpu.memory_space<semaphore_mem>>) {add = true}
      %dma_wait3A = arith.constant 0 : i32
      %dma_wait3A_88 = arith.constant 0 : i32
      %dma_wait3A_89 = tpu.memref_slice %arg14[%dma_wait3A, %dma_wait3A_88] : memref<10240x128xf32, #tpu.memory_space<vmem_shared>> -> memref<10240x128xf32, #tpu.memory_space<vmem_shared>>
      tpu.wait_indirect_dma semaphore(%run_scoped3A : memref<!tpu.dma_semaphore, #tpu.memory_space<semaphore_mem>>) src(%arg13 : memref<128x128xf32, #tpu.memory_space<vmem>>) dst(%dma_wait3A_89 : memref<10240x128xf32, #tpu.memory_space<vmem_shared>>)
      tpu.yield
    }) : () -> ()
    %barrier3A_64 = arith.constant 0 : index
    tpu.barrier barrier_id(%barrier3A_64)
    %add3A_65 = arith.constant 0 : i32
    %add3A_66 = arith.addi %mul3A_2, %add3A_65 : i32
    "tpu.region"() ({
      %run_scoped3A = tpu.sem_alloc : memref<!tpu.dma_semaphore, #tpu.memory_space<semaphore_mem>>
      %dma_start3A = tpu.memref_slice %arg7[%add3A_66] : memref<10240xi32, #tpu.memory_space<hbm>> -> memref<128xi32, #tpu.memory_space<hbm>>
      %dma_start3A_86 = tpu.memref_slice %arg7[%add3A_66] : memref<10240xi32, #tpu.memory_space<hbm>> -> memref<128xi32, #tpu.memory_space<hbm>>
      tpu.enqueue_dma source(%dma_start3A_86 : memref<128xi32, #tpu.memory_space<hbm>>) target(%arg11 : memref<128xi32, #tpu.memory_space<vmem>>) target_semaphore(%run_scoped3A : memref<!tpu.dma_semaphore, #tpu.memory_space<semaphore_mem>>)
      %dma_wait3A = tpu.memref_slice %arg7[%add3A_66] : memref<10240xi32, #tpu.memory_space<hbm>> -> memref<128xi32, #tpu.memory_space<hbm>>
      %dma_wait3A_87 = tpu.memref_slice %arg7[%add3A_66] : memref<10240xi32, #tpu.memory_space<hbm>> -> memref<128xi32, #tpu.memory_space<hbm>>
      tpu.wait_dma2 semaphore(%run_scoped3A : memref<!tpu.dma_semaphore, #tpu.memory_space<semaphore_mem>>) src(%dma_wait3A_87 : memref<128xi32, #tpu.memory_space<hbm>>) dst(%arg11 : memref<128xi32, #tpu.memory_space<vmem>>)
      tpu.yield
    }) : () -> ()
    "tpu.region"() ({
      %run_scoped3A = tpu.sem_alloc : memref<!tpu.dma_semaphore, #tpu.memory_space<semaphore_mem>>
      %dma_start3A = arith.constant 0 : i32
      %dma_start3A_86 = arith.constant 0 : i32
      %dma_start3A_87 = tpu.memref_slice %arg14[%dma_start3A, %dma_start3A_86] : memref<10240x128xf32, #tpu.memory_space<vmem_shared>> -> memref<10240x128xf32, #tpu.memory_space<vmem_shared>>
      tpu.enqueue_indirect_dma source(%dma_start3A_87 : memref<10240x128xf32, #tpu.memory_space<vmem_shared>>) target(%arg13 : memref<128x128xf32, #tpu.memory_space<vmem>>) offsets(%arg11 : memref<128xi32, #tpu.memory_space<vmem>>) semaphore(%run_scoped3A : memref<!tpu.dma_semaphore, #tpu.memory_space<semaphore_mem>>)
      %dma_wait3A = arith.constant 0 : i32
      %dma_wait3A_88 = arith.constant 0 : i32
      %dma_wait3A_89 = tpu.memref_slice %arg14[%dma_wait3A, %dma_wait3A_88] : memref<10240x128xf32, #tpu.memory_space<vmem_shared>> -> memref<10240x128xf32, #tpu.memory_space<vmem_shared>>
      tpu.wait_indirect_dma semaphore(%run_scoped3A : memref<!tpu.dma_semaphore, #tpu.memory_space<semaphore_mem>>) src(%dma_wait3A_89 : memref<10240x128xf32, #tpu.memory_space<vmem_shared>>) dst(%arg13 : memref<128x128xf32, #tpu.memory_space<vmem>>)
      tpu.yield
    }) : () -> ()
    %add3A_67 = arith.constant 0 : i32
    %add3A_68 = arith.addi %add3A_7, %add3A_67 : i32
    "tpu.region"() ({
      %run_scoped3A = tpu.sem_alloc : memref<!tpu.dma_semaphore, #tpu.memory_space<semaphore_mem>>
      %dma_start3A = arith.constant 0 : i32
      %dma_start3A_86 = tpu.memref_slice %arg9[%add3A_68, %dma_start3A] : memref<20480x128xf32, #tpu.memory_space<hbm>> -> memref<128x128xf32, #tpu.memory_space<hbm>>
      %dma_start3A_87 = arith.constant 0 : i32
      %dma_start3A_88 = tpu.memref_slice %arg9[%add3A_68, %dma_start3A_87] : memref<20480x128xf32, #tpu.memory_space<hbm>> -> memref<128x128xf32, #tpu.memory_space<hbm>>
      tpu.enqueue_dma source(%arg13 : memref<128x128xf32, #tpu.memory_space<vmem>>) target(%dma_start3A_88 : memref<128x128xf32, #tpu.memory_space<hbm>>) target_semaphore(%run_scoped3A : memref<!tpu.dma_semaphore, #tpu.memory_space<semaphore_mem>>)
      %dma_wait3A = arith.constant 0 : i32
      %dma_wait3A_89 = tpu.memref_slice %arg9[%add3A_68, %dma_wait3A] : memref<20480x128xf32, #tpu.memory_space<hbm>> -> memref<128x128xf32, #tpu.memory_space<hbm>>
      %dma_wait3A_90 = arith.constant 0 : i32
      %dma_wait3A_91 = tpu.memref_slice %arg9[%add3A_68, %dma_wait3A_90] : memref<20480x128xf32, #tpu.memory_space<hbm>> -> memref<128x128xf32, #tpu.memory_space<hbm>>
      tpu.wait_dma2 semaphore(%run_scoped3A : memref<!tpu.dma_semaphore, #tpu.memory_space<semaphore_mem>>) src(%arg13 : memref<128x128xf32, #tpu.memory_space<vmem>>) dst(%dma_wait3A_91 : memref<128x128xf32, #tpu.memory_space<hbm>>)
      tpu.yield
    }) : () -> ()
    %add3A_69 = arith.constant 128 : i32
    %add3A_70 = arith.addi %mul3A_2, %add3A_69 : i32
    "tpu.region"() ({
      %run_scoped3A = tpu.sem_alloc : memref<!tpu.dma_semaphore, #tpu.memory_space<semaphore_mem>>
      %dma_start3A = tpu.memref_slice %arg7[%add3A_70] : memref<10240xi32, #tpu.memory_space<hbm>> -> memref<128xi32, #tpu.memory_space<hbm>>
      %dma_start3A_86 = tpu.memref_slice %arg7[%add3A_70] : memref<10240xi32, #tpu.memory_space<hbm>> -> memref<128xi32, #tpu.memory_space<hbm>>
      tpu.enqueue_dma source(%dma_start3A_86 : memref<128xi32, #tpu.memory_space<hbm>>) target(%arg11 : memref<128xi32, #tpu.memory_space<vmem>>) target_semaphore(%run_scoped3A : memref<!tpu.dma_semaphore, #tpu.memory_space<semaphore_mem>>)
      %dma_wait3A = tpu.memref_slice %arg7[%add3A_70] : memref<10240xi32, #tpu.memory_space<hbm>> -> memref<128xi32, #tpu.memory_space<hbm>>
      %dma_wait3A_87 = tpu.memref_slice %arg7[%add3A_70] : memref<10240xi32, #tpu.memory_space<hbm>> -> memref<128xi32, #tpu.memory_space<hbm>>
      tpu.wait_dma2 semaphore(%run_scoped3A : memref<!tpu.dma_semaphore, #tpu.memory_space<semaphore_mem>>) src(%dma_wait3A_87 : memref<128xi32, #tpu.memory_space<hbm>>) dst(%arg11 : memref<128xi32, #tpu.memory_space<vmem>>)
      tpu.yield
    }) : () -> ()
    "tpu.region"() ({
      %run_scoped3A = tpu.sem_alloc : memref<!tpu.dma_semaphore, #tpu.memory_space<semaphore_mem>>
      %dma_start3A = arith.constant 0 : i32
      %dma_start3A_86 = arith.constant 0 : i32
      %dma_start3A_87 = tpu.memref_slice %arg14[%dma_start3A, %dma_start3A_86] : memref<10240x128xf32, #tpu.memory_space<vmem_shared>> -> memref<10240x128xf32, #tpu.memory_space<vmem_shared>>
      tpu.enqueue_indirect_dma source(%dma_start3A_87 : memref<10240x128xf32, #tpu.memory_space<vmem_shared>>) target(%arg13 : memref<128x128xf32, #tpu.memory_space<vmem>>) offsets(%arg11 : memref<128xi32, #tpu.memory_space<vmem>>) semaphore(%run_scoped3A : memref<!tpu.dma_semaphore, #tpu.memory_space<semaphore_mem>>)
      %dma_wait3A = arith.constant 0 : i32
      %dma_wait3A_88 = arith.constant 0 : i32
      %dma_wait3A_89 = tpu.memref_slice %arg14[%dma_wait3A, %dma_wait3A_88] : memref<10240x128xf32, #tpu.memory_space<vmem_shared>> -> memref<10240x128xf32, #tpu.memory_space<vmem_shared>>
      tpu.wait_indirect_dma semaphore(%run_scoped3A : memref<!tpu.dma_semaphore, #tpu.memory_space<semaphore_mem>>) src(%dma_wait3A_89 : memref<10240x128xf32, #tpu.memory_space<vmem_shared>>) dst(%arg13 : memref<128x128xf32, #tpu.memory_space<vmem>>)
      tpu.yield
    }) : () -> ()
    %add3A_71 = arith.constant 128 : i32
    %add3A_72 = arith.addi %add3A_7, %add3A_71 : i32
    "tpu.region"() ({
      %run_scoped3A = tpu.sem_alloc : memref<!tpu.dma_semaphore, #tpu.memory_space<semaphore_mem>>
      %dma_start3A = arith.constant 0 : i32
      %dma_start3A_86 = tpu.memref_slice %arg9[%add3A_72, %dma_start3A] : memref<20480x128xf32, #tpu.memory_space<hbm>> -> memref<128x128xf32, #tpu.memory_space<hbm>>
      %dma_start3A_87 = arith.constant 0 : i32
      %dma_start3A_88 = tpu.memref_slice %arg9[%add3A_72, %dma_start3A_87] : memref<20480x128xf32, #tpu.memory_space<hbm>> -> memref<128x128xf32, #tpu.memory_space<hbm>>
      tpu.enqueue_dma source(%arg13 : memref<128x128xf32, #tpu.memory_space<vmem>>) target(%dma_start3A_88 : memref<128x128xf32, #tpu.memory_space<hbm>>) target_semaphore(%run_scoped3A : memref<!tpu.dma_semaphore, #tpu.memory_space<semaphore_mem>>)
      %dma_wait3A = arith.constant 0 : i32
      %dma_wait3A_89 = tpu.memref_slice %arg9[%add3A_72, %dma_wait3A] : memref<20480x128xf32, #tpu.memory_space<hbm>> -> memref<128x128xf32, #tpu.memory_space<hbm>>
      %dma_wait3A_90 = arith.constant 0 : i32
      %dma_wait3A_91 = tpu.memref_slice %arg9[%add3A_72, %dma_wait3A_90] : memref<20480x128xf32, #tpu.memory_space<hbm>> -> memref<128x128xf32, #tpu.memory_space<hbm>>
      tpu.wait_dma2 semaphore(%run_scoped3A : memref<!tpu.dma_semaphore, #tpu.memory_space<semaphore_mem>>) src(%arg13 : memref<128x128xf32, #tpu.memory_space<vmem>>) dst(%dma_wait3A_91 : memref<128x128xf32, #tpu.memory_space<hbm>>)
      tpu.yield
    }) : () -> ()
    %add3A_73 = arith.constant 256 : i32
    %add3A_74 = arith.addi %mul3A_2, %add3A_73 : i32
    "tpu.region"() ({
      %run_scoped3A = tpu.sem_alloc : memref<!tpu.dma_semaphore, #tpu.memory_space<semaphore_mem>>
      %dma_start3A = tpu.memref_slice %arg7[%add3A_74] : memref<10240xi32, #tpu.memory_space<hbm>> -> memref<128xi32, #tpu.memory_space<hbm>>
      %dma_start3A_86 = tpu.memref_slice %arg7[%add3A_74] : memref<10240xi32, #tpu.memory_space<hbm>> -> memref<128xi32, #tpu.memory_space<hbm>>
      tpu.enqueue_dma source(%dma_start3A_86 : memref<128xi32, #tpu.memory_space<hbm>>) target(%arg11 : memref<128xi32, #tpu.memory_space<vmem>>) target_semaphore(%run_scoped3A : memref<!tpu.dma_semaphore, #tpu.memory_space<semaphore_mem>>)
      %dma_wait3A = tpu.memref_slice %arg7[%add3A_74] : memref<10240xi32, #tpu.memory_space<hbm>> -> memref<128xi32, #tpu.memory_space<hbm>>
      %dma_wait3A_87 = tpu.memref_slice %arg7[%add3A_74] : memref<10240xi32, #tpu.memory_space<hbm>> -> memref<128xi32, #tpu.memory_space<hbm>>
      tpu.wait_dma2 semaphore(%run_scoped3A : memref<!tpu.dma_semaphore, #tpu.memory_space<semaphore_mem>>) src(%dma_wait3A_87 : memref<128xi32, #tpu.memory_space<hbm>>) dst(%arg11 : memref<128xi32, #tpu.memory_space<vmem>>)
      tpu.yield
    }) : () -> ()
    "tpu.region"() ({
      %run_scoped3A = tpu.sem_alloc : memref<!tpu.dma_semaphore, #tpu.memory_space<semaphore_mem>>
      %dma_start3A = arith.constant 0 : i32
      %dma_start3A_86 = arith.constant 0 : i32
      %dma_start3A_87 = tpu.memref_slice %arg14[%dma_start3A, %dma_start3A_86] : memref<10240x128xf32, #tpu.memory_space<vmem_shared>> -> memref<10240x128xf32, #tpu.memory_space<vmem_shared>>
      tpu.enqueue_indirect_dma source(%dma_start3A_87 : memref<10240x128xf32, #tpu.memory_space<vmem_shared>>) target(%arg13 : memref<128x128xf32, #tpu.memory_space<vmem>>) offsets(%arg11 : memref<128xi32, #tpu.memory_space<vmem>>) semaphore(%run_scoped3A : memref<!tpu.dma_semaphore, #tpu.memory_space<semaphore_mem>>)
      %dma_wait3A = arith.constant 0 : i32
      %dma_wait3A_88 = arith.constant 0 : i32
      %dma_wait3A_89 = tpu.memref_slice %arg14[%dma_wait3A, %dma_wait3A_88] : memref<10240x128xf32, #tpu.memory_space<vmem_shared>> -> memref<10240x128xf32, #tpu.memory_space<vmem_shared>>
      tpu.wait_indirect_dma semaphore(%run_scoped3A : memref<!tpu.dma_semaphore, #tpu.memory_space<semaphore_mem>>) src(%dma_wait3A_89 : memref<10240x128xf32, #tpu.memory_space<vmem_shared>>) dst(%arg13 : memref<128x128xf32, #tpu.memory_space<vmem>>)
      tpu.yield
    }) : () -> ()
    %add3A_75 = arith.constant 256 : i32
    %add3A_76 = arith.addi %add3A_7, %add3A_75 : i32
    "tpu.region"() ({
      %run_scoped3A = tpu.sem_alloc : memref<!tpu.dma_semaphore, #tpu.memory_space<semaphore_mem>>
      %dma_start3A = arith.constant 0 : i32
      %dma_start3A_86 = tpu.memref_slice %arg9[%add3A_76, %dma_start3A] : memref<20480x128xf32, #tpu.memory_space<hbm>> -> memref<128x128xf32, #tpu.memory_space<hbm>>
      %dma_start3A_87 = arith.constant 0 : i32
      %dma_start3A_88 = tpu.memref_slice %arg9[%add3A_76, %dma_start3A_87] : memref<20480x128xf32, #tpu.memory_space<hbm>> -> memref<128x128xf32, #tpu.memory_space<hbm>>
      tpu.enqueue_dma source(%arg13 : memref<128x128xf32, #tpu.memory_space<vmem>>) target(%dma_start3A_88 : memref<128x128xf32, #tpu.memory_space<hbm>>) target_semaphore(%run_scoped3A : memref<!tpu.dma_semaphore, #tpu.memory_space<semaphore_mem>>)
      %dma_wait3A = arith.constant 0 : i32
      %dma_wait3A_89 = tpu.memref_slice %arg9[%add3A_76, %dma_wait3A] : memref<20480x128xf32, #tpu.memory_space<hbm>> -> memref<128x128xf32, #tpu.memory_space<hbm>>
      %dma_wait3A_90 = arith.constant 0 : i32
      %dma_wait3A_91 = tpu.memref_slice %arg9[%add3A_76, %dma_wait3A_90] : memref<20480x128xf32, #tpu.memory_space<hbm>> -> memref<128x128xf32, #tpu.memory_space<hbm>>
      tpu.wait_dma2 semaphore(%run_scoped3A : memref<!tpu.dma_semaphore, #tpu.memory_space<semaphore_mem>>) src(%arg13 : memref<128x128xf32, #tpu.memory_space<vmem>>) dst(%dma_wait3A_91 : memref<128x128xf32, #tpu.memory_space<hbm>>)
      tpu.yield
    }) : () -> ()
    %add3A_77 = arith.constant 384 : i32
    %add3A_78 = arith.addi %mul3A_2, %add3A_77 : i32
    "tpu.region"() ({
      %run_scoped3A = tpu.sem_alloc : memref<!tpu.dma_semaphore, #tpu.memory_space<semaphore_mem>>
      %dma_start3A = tpu.memref_slice %arg7[%add3A_78] : memref<10240xi32, #tpu.memory_space<hbm>> -> memref<128xi32, #tpu.memory_space<hbm>>
      %dma_start3A_86 = tpu.memref_slice %arg7[%add3A_78] : memref<10240xi32, #tpu.memory_space<hbm>> -> memref<128xi32, #tpu.memory_space<hbm>>
      tpu.enqueue_dma source(%dma_start3A_86 : memref<128xi32, #tpu.memory_space<hbm>>) target(%arg11 : memref<128xi32, #tpu.memory_space<vmem>>) target_semaphore(%run_scoped3A : memref<!tpu.dma_semaphore, #tpu.memory_space<semaphore_mem>>)
      %dma_wait3A = tpu.memref_slice %arg7[%add3A_78] : memref<10240xi32, #tpu.memory_space<hbm>> -> memref<128xi32, #tpu.memory_space<hbm>>
      %dma_wait3A_87 = tpu.memref_slice %arg7[%add3A_78] : memref<10240xi32, #tpu.memory_space<hbm>> -> memref<128xi32, #tpu.memory_space<hbm>>
      tpu.wait_dma2 semaphore(%run_scoped3A : memref<!tpu.dma_semaphore, #tpu.memory_space<semaphore_mem>>) src(%dma_wait3A_87 : memref<128xi32, #tpu.memory_space<hbm>>) dst(%arg11 : memref<128xi32, #tpu.memory_space<vmem>>)
      tpu.yield
    }) : () -> ()
    "tpu.region"() ({
      %run_scoped3A = tpu.sem_alloc : memref<!tpu.dma_semaphore, #tpu.memory_space<semaphore_mem>>
      %dma_start3A = arith.constant 0 : i32
      %dma_start3A_86 = arith.constant 0 : i32
      %dma_start3A_87 = tpu.memref_slice %arg14[%dma_start3A, %dma_start3A_86] : memref<10240x128xf32, #tpu.memory_space<vmem_shared>> -> memref<10240x128xf32, #tpu.memory_space<vmem_shared>>
      tpu.enqueue_indirect_dma source(%dma_start3A_87 : memref<10240x128xf32, #tpu.memory_space<vmem_shared>>) target(%arg13 : memref<128x128xf32, #tpu.memory_space<vmem>>) offsets(%arg11 : memref<128xi32, #tpu.memory_space<vmem>>) semaphore(%run_scoped3A : memref<!tpu.dma_semaphore, #tpu.memory_space<semaphore_mem>>)
      %dma_wait3A = arith.constant 0 : i32
      %dma_wait3A_88 = arith.constant 0 : i32
      %dma_wait3A_89 = tpu.memref_slice %arg14[%dma_wait3A, %dma_wait3A_88] : memref<10240x128xf32, #tpu.memory_space<vmem_shared>> -> memref<10240x128xf32, #tpu.memory_space<vmem_shared>>
      tpu.wait_indirect_dma semaphore(%run_scoped3A : memref<!tpu.dma_semaphore, #tpu.memory_space<semaphore_mem>>) src(%dma_wait3A_89 : memref<10240x128xf32, #tpu.memory_space<vmem_shared>>) dst(%arg13 : memref<128x128xf32, #tpu.memory_space<vmem>>)
      tpu.yield
    }) : () -> ()
    %add3A_79 = arith.constant 384 : i32
    %add3A_80 = arith.addi %add3A_7, %add3A_79 : i32
    "tpu.region"() ({
      %run_scoped3A = tpu.sem_alloc : memref<!tpu.dma_semaphore, #tpu.memory_space<semaphore_mem>>
      %dma_start3A = arith.constant 0 : i32
      %dma_start3A_86 = tpu.memref_slice %arg9[%add3A_80, %dma_start3A] : memref<20480x128xf32, #tpu.memory_space<hbm>> -> memref<128x128xf32, #tpu.memory_space<hbm>>
      %dma_start3A_87 = arith.constant 0 : i32
      %dma_start3A_88 = tpu.memref_slice %arg9[%add3A_80, %dma_start3A_87] : memref<20480x128xf32, #tpu.memory_space<hbm>> -> memref<128x128xf32, #tpu.memory_space<hbm>>
      tpu.enqueue_dma source(%arg13 : memref<128x128xf32, #tpu.memory_space<vmem>>) target(%dma_start3A_88 : memref<128x128xf32, #tpu.memory_space<hbm>>) target_semaphore(%run_scoped3A : memref<!tpu.dma_semaphore, #tpu.memory_space<semaphore_mem>>)
      %dma_wait3A = arith.constant 0 : i32
      %dma_wait3A_89 = tpu.memref_slice %arg9[%add3A_80, %dma_wait3A] : memref<20480x128xf32, #tpu.memory_space<hbm>> -> memref<128x128xf32, #tpu.memory_space<hbm>>
      %dma_wait3A_90 = arith.constant 0 : i32
      %dma_wait3A_91 = tpu.memref_slice %arg9[%add3A_80, %dma_wait3A_90] : memref<20480x128xf32, #tpu.memory_space<hbm>> -> memref<128x128xf32, #tpu.memory_space<hbm>>
      tpu.wait_dma2 semaphore(%run_scoped3A : memref<!tpu.dma_semaphore, #tpu.memory_space<semaphore_mem>>) src(%arg13 : memref<128x128xf32, #tpu.memory_space<vmem>>) dst(%dma_wait3A_91 : memref<128x128xf32, #tpu.memory_space<hbm>>)
      tpu.yield
    }) : () -> ()
    %add3A_81 = arith.constant 512 : i32
    %add3A_82 = arith.addi %mul3A_2, %add3A_81 : i32
    "tpu.region"() ({
      %run_scoped3A = tpu.sem_alloc : memref<!tpu.dma_semaphore, #tpu.memory_space<semaphore_mem>>
      %dma_start3A = tpu.memref_slice %arg7[%add3A_82] : memref<10240xi32, #tpu.memory_space<hbm>> -> memref<128xi32, #tpu.memory_space<hbm>>
      %dma_start3A_86 = tpu.memref_slice %arg7[%add3A_82] : memref<10240xi32, #tpu.memory_space<hbm>> -> memref<128xi32, #tpu.memory_space<hbm>>
      tpu.enqueue_dma source(%dma_start3A_86 : memref<128xi32, #tpu.memory_space<hbm>>) target(%arg11 : memref<128xi32, #tpu.memory_space<vmem>>) target_semaphore(%run_scoped3A : memref<!tpu.dma_semaphore, #tpu.memory_space<semaphore_mem>>)
      %dma_wait3A = tpu.memref_slice %arg7[%add3A_82] : memref<10240xi32, #tpu.memory_space<hbm>> -> memref<128xi32, #tpu.memory_space<hbm>>
      %dma_wait3A_87 = tpu.memref_slice %arg7[%add3A_82] : memref<10240xi32, #tpu.memory_space<hbm>> -> memref<128xi32, #tpu.memory_space<hbm>>
      tpu.wait_dma2 semaphore(%run_scoped3A : memref<!tpu.dma_semaphore, #tpu.memory_space<semaphore_mem>>) src(%dma_wait3A_87 : memref<128xi32, #tpu.memory_space<hbm>>) dst(%arg11 : memref<128xi32, #tpu.memory_space<vmem>>)
      tpu.yield
    }) : () -> ()
    "tpu.region"() ({
      %run_scoped3A = tpu.sem_alloc : memref<!tpu.dma_semaphore, #tpu.memory_space<semaphore_mem>>
      %dma_start3A = arith.constant 0 : i32
      %dma_start3A_86 = arith.constant 0 : i32
      %dma_start3A_87 = tpu.memref_slice %arg14[%dma_start3A, %dma_start3A_86] : memref<10240x128xf32, #tpu.memory_space<vmem_shared>> -> memref<10240x128xf32, #tpu.memory_space<vmem_shared>>
      tpu.enqueue_indirect_dma source(%dma_start3A_87 : memref<10240x128xf32, #tpu.memory_space<vmem_shared>>) target(%arg13 : memref<128x128xf32, #tpu.memory_space<vmem>>) offsets(%arg11 : memref<128xi32, #tpu.memory_space<vmem>>) semaphore(%run_scoped3A : memref<!tpu.dma_semaphore, #tpu.memory_space<semaphore_mem>>)
      %dma_wait3A = arith.constant 0 : i32
      %dma_wait3A_88 = arith.constant 0 : i32
      %dma_wait3A_89 = tpu.memref_slice %arg14[%dma_wait3A, %dma_wait3A_88] : memref<10240x128xf32, #tpu.memory_space<vmem_shared>> -> memref<10240x128xf32, #tpu.memory_space<vmem_shared>>
      tpu.wait_indirect_dma semaphore(%run_scoped3A : memref<!tpu.dma_semaphore, #tpu.memory_space<semaphore_mem>>) src(%dma_wait3A_89 : memref<10240x128xf32, #tpu.memory_space<vmem_shared>>) dst(%arg13 : memref<128x128xf32, #tpu.memory_space<vmem>>)
      tpu.yield
    }) : () -> ()
    %add3A_83 = arith.constant 512 : i32
    %add3A_84 = arith.addi %add3A_7, %add3A_83 : i32
    "tpu.region"() ({
      %run_scoped3A = tpu.sem_alloc : memref<!tpu.dma_semaphore, #tpu.memory_space<semaphore_mem>>
      %dma_start3A = arith.constant 0 : i32
      %dma_start3A_86 = tpu.memref_slice %arg9[%add3A_84, %dma_start3A] : memref<20480x128xf32, #tpu.memory_space<hbm>> -> memref<128x128xf32, #tpu.memory_space<hbm>>
      %dma_start3A_87 = arith.constant 0 : i32
      %dma_start3A_88 = tpu.memref_slice %arg9[%add3A_84, %dma_start3A_87] : memref<20480x128xf32, #tpu.memory_space<hbm>> -> memref<128x128xf32, #tpu.memory_space<hbm>>
      tpu.enqueue_dma source(%arg13 : memref<128x128xf32, #tpu.memory_space<vmem>>) target(%dma_start3A_88 : memref<128x128xf32, #tpu.memory_space<hbm>>) target_semaphore(%run_scoped3A : memref<!tpu.dma_semaphore, #tpu.memory_space<semaphore_mem>>)
      %dma_wait3A = arith.constant 0 : i32
      %dma_wait3A_89 = tpu.memref_slice %arg9[%add3A_84, %dma_wait3A] : memref<20480x128xf32, #tpu.memory_space<hbm>> -> memref<128x128xf32, #tpu.memory_space<hbm>>
      %dma_wait3A_90 = arith.constant 0 : i32
      %dma_wait3A_91 = tpu.memref_slice %arg9[%add3A_84, %dma_wait3A_90] : memref<20480x128xf32, #tpu.memory_space<hbm>> -> memref<128x128xf32, #tpu.memory_space<hbm>>
      tpu.wait_dma2 semaphore(%run_scoped3A : memref<!tpu.dma_semaphore, #tpu.memory_space<semaphore_mem>>) src(%arg13 : memref<128x128xf32, #tpu.memory_space<vmem>>) dst(%dma_wait3A_91 : memref<128x128xf32, #tpu.memory_space<hbm>>)
      tpu.yield
    }) : () -> ()
    %barrier3A_85 = arith.constant 0 : index
    tpu.barrier barrier_id(%barrier3A_85)
    return
  }
}

module attributes {stable_mosaic.version = 14 : i64} {
  func.func @_pre_kernel(%arg0: i32, %arg1: memref<1000x128xf32, #tpu.memory_space<vmem>>, %arg2: memref<1000x64xf32, #tpu.memory_space<vmem>>, %arg3: memref<128x128xf32, #tpu.memory_space<vmem>>, %arg4: memref<1x128xf32, #tpu.memory_space<vmem>>, %arg5: memref<64x1xf32, #tpu.memory_space<vmem>>, %arg6: memref<1x64xf32, #tpu.memory_space<vmem>>, %arg7: memref<1x128xf32, #tpu.memory_space<vmem>>, %arg8: memref<64x128xf32, #tpu.memory_space<vmem>>, %arg9: memref<64x128xf32, #tpu.memory_space<vmem>>, %arg10: memref<1x128xf32, #tpu.memory_space<vmem>>, %arg11: memref<128x2xf32, #tpu.memory_space<vmem>>, %arg12: memref<1x2xf32, #tpu.memory_space<vmem>>, %arg13: memref<2x128xf32, #tpu.memory_space<vmem>>, %arg14: memref<1000x128xf32, #tpu.memory_space<vmem>>, %arg15: memref<64x128xf32, #tpu.memory_space<vmem>>, %arg16: memref<64x128xf32, #tpu.memory_space<vmem>>) attributes {dimension_semantics = [#tpu.dimension_semantics<arbitrary>], iteration_bounds = array<i64: 10>, scalar_prefetch = 0 : i64, scratch_operands = 1 : i64, tpu.core_type = #tpu.core_type<tc>, window_params = [{transform_indices = @transform_0, window_bounds = array<i64: 1000, 128>}, {transform_indices = @transform_1, window_bounds = array<i64: 1000, 64>}, {pipeline_mode = #tpu.pipeline_mode<synchronous>, transform_indices = @transform_2, window_bounds = array<i64: 128, 128>}, {pipeline_mode = #tpu.pipeline_mode<synchronous>, transform_indices = @transform_3, window_bounds = array<i64: 1, 128>}, {pipeline_mode = #tpu.pipeline_mode<synchronous>, transform_indices = @transform_4, window_bounds = array<i64: 64, 1>}, {pipeline_mode = #tpu.pipeline_mode<synchronous>, transform_indices = @transform_5, window_bounds = array<i64: 1, 64>}, {pipeline_mode = #tpu.pipeline_mode<synchronous>, transform_indices = @transform_6, window_bounds = array<i64: 1, 128>}, {pipeline_mode = #tpu.pipeline_mode<synchronous>, transform_indices = @transform_7, window_bounds = array<i64: 64, 128>}, {pipeline_mode = #tpu.pipeline_mode<synchronous>, transform_indices = @transform_8, window_bounds = array<i64: 64, 128>}, {pipeline_mode = #tpu.pipeline_mode<synchronous>, transform_indices = @transform_9, window_bounds = array<i64: 1, 128>}, {pipeline_mode = #tpu.pipeline_mode<synchronous>, transform_indices = @transform_10, window_bounds = array<i64: 128, 2>}, {pipeline_mode = #tpu.pipeline_mode<synchronous>, transform_indices = @transform_11, window_bounds = array<i64: 1, 2>}, {pipeline_mode = #tpu.pipeline_mode<synchronous>, transform_indices = @transform_12, window_bounds = array<i64: 2, 128>}, {transform_indices = @transform_13, window_bounds = array<i64: 1000, 128>}, {pipeline_mode = #tpu.pipeline_mode<synchronous>, transform_indices = @transform_14, window_bounds = array<i64: 64, 128>}]} {
    %get3A = arith.constant 0 : index
    %get3A_0 = arith.constant 0 : index
    %get3A_1 = vector.load %arg1[%get3A, %get3A_0] : memref<1000x128xf32, #tpu.memory_space<vmem>>, vector<1000x128xf32>
    %get3A_2 = arith.constant 0 : index
    %get3A_3 = arith.constant 0 : index
    %get3A_4 = vector.load %arg3[%get3A_2, %get3A_3] : memref<128x128xf32, #tpu.memory_space<vmem>>, vector<128x128xf32>
    %dot_general3A = arith.constant dense<0.000000e+00> : vector<1000x128xf32>
    %dot_general3A_5 = tpu.matmul %get3A_1, %get3A_4, %dot_general3A {dimension_numbers = #tpu.dot_dimension_numbers<[1], [0], [0], [1], [0, 0, 1, 1], [], []>, transpose_lhs_hint = false} : vector<1000x128xf32>, vector<128x128xf32>, vector<1000x128xf32> -> vector<1000x128xf32>
    %get3A_6 = arith.constant 0 : index
    %get3A_7 = arith.constant 0 : index
    %get3A_8 = vector.load %arg4[%get3A_6, %get3A_7] : memref<1x128xf32, #tpu.memory_space<vmem>>, vector<1x128xf32>
    %add3A = vector.broadcast %get3A_8 : vector<1x128xf32> to vector<1000x128xf32>
    %add3A_9 = arith.addf %dot_general3A_5, %add3A : vector<1000x128xf32>
    %swap3A = arith.constant 0 : index
    %swap3A_10 = arith.constant 0 : index
    %swap3A_11 = vector.load %arg14[%swap3A, %swap3A_10] : memref<1000x128xf32, #tpu.memory_space<vmem>>, vector<1000x128xf32>
    tpu.vector_store %arg14[%swap3A, %swap3A_10], %add3A_9 {strides = array<i32>} : memref<1000x128xf32, #tpu.memory_space<vmem>>, vector<1000x128xf32>,
    %eq3A = arith.constant 0 : i32
    %eq3A_12 = arith.cmpi eq, %arg0, %eq3A : i32
    %convert_element_type3A = arith.extui %eq3A_12 : i1 to i32
    %cond3A = arith.constant 0 : i32
    %cond3A_13 = arith.cmpi ne, %convert_element_type3A, %cond3A : i32
    scf.if %cond3A_13 {
      %broadcast_in_dim3A = arith.constant 0.000000e+00 : f32
      %broadcast_in_dim3A_31 = vector.broadcast %broadcast_in_dim3A : f32 to vector<64x128xf32>
      %swap3A_32 = arith.constant 0 : index
      %swap3A_33 = arith.constant 0 : index
      %swap3A_34 = vector.load %arg16[%swap3A_32, %swap3A_33] : memref<64x128xf32, #tpu.memory_space<vmem>>, vector<64x128xf32>
      tpu.vector_store %arg16[%swap3A_32, %swap3A_33], %broadcast_in_dim3A_31 {strides = array<i32>} : memref<64x128xf32, #tpu.memory_space<vmem>>, vector<64x128xf32>,
    } else {
    }
    %get3A_14 = arith.constant 0 : index
    %get3A_15 = arith.constant 0 : index
    %get3A_16 = vector.load %arg16[%get3A_14, %get3A_15] : memref<64x128xf32, #tpu.memory_space<vmem>>, vector<64x128xf32>
    %get3A_17 = arith.constant 0 : index
    %get3A_18 = arith.constant 0 : index
    %get3A_19 = vector.load %arg2[%get3A_17, %get3A_18] : memref<1000x64xf32, #tpu.memory_space<vmem>>, vector<1000x64xf32>
    %dot_general3A_20 = arith.constant dense<0.000000e+00> : vector<64x128xf32>
    %dot_general3A_21 = tpu.matmul %get3A_19, %add3A_9, %dot_general3A_20 {dimension_numbers = #tpu.dot_dimension_numbers<[0], [0], [1], [1], [0, 1, 1, 1], [], []>, transpose_lhs_hint = false} : vector<1000x64xf32>, vector<1000x128xf32>, vector<64x128xf32> -> vector<64x128xf32>
    %add3A_22 = arith.addf %get3A_16, %dot_general3A_21 : vector<64x128xf32>
    %swap3A_23 = arith.constant 0 : index
    %swap3A_24 = arith.constant 0 : index
    %swap3A_25 = vector.load %arg16[%swap3A_23, %swap3A_24] : memref<64x128xf32, #tpu.memory_space<vmem>>, vector<64x128xf32>
    tpu.vector_store %arg16[%swap3A_23, %swap3A_24], %add3A_22 {strides = array<i32>} : memref<64x128xf32, #tpu.memory_space<vmem>>, vector<64x128xf32>,
    %eq3A_26 = arith.constant 9 : i32
    %eq3A_27 = arith.cmpi eq, %arg0, %eq3A_26 : i32
    %convert_element_type3A_28 = arith.extui %eq3A_27 : i1 to i32
    %cond3A_29 = arith.constant 0 : i32
    %cond3A_30 = arith.cmpi ne, %convert_element_type3A_28, %cond3A_29 : i32
    scf.if %cond3A_30 {
      %get3A_31 = arith.constant 0 : index
      %get3A_32 = arith.constant 0 : index
      %get3A_33 = vector.load %arg5[%get3A_31, %get3A_32] : memref<64x1xf32, #tpu.memory_space<vmem>>, vector<64x1xf32>
      %mul3A = arith.constant 1.000000e+02 : f32
      %mul3A_34 = vector.broadcast %mul3A : f32 to vector<64x1xf32>
      %mul3A_35 = arith.mulf %get3A_33, %mul3A_34 : vector<64x1xf32>
      %get3A_36 = arith.constant 0 : index
      %get3A_37 = arith.constant 0 : index
      %get3A_38 = vector.load %arg6[%get3A_36, %get3A_37] : memref<1x64xf32, #tpu.memory_space<vmem>>, vector<1x64xf32>
      %mul3A_39 = vector.broadcast %mul3A_35 : vector<64x1xf32> to vector<64x64xf32>
      %mul3A_40 = vector.broadcast %get3A_38 : vector<1x64xf32> to vector<64x64xf32>
      %mul3A_41 = arith.mulf %mul3A_39, %mul3A_40 : vector<64x64xf32>
      %get3A_42 = arith.constant 0 : index
      %get3A_43 = arith.constant 0 : index
      %get3A_44 = vector.load %arg7[%get3A_42, %get3A_43] : memref<1x128xf32, #tpu.memory_space<vmem>>, vector<1x128xf32>
      %mul3A_45 = vector.broadcast %get3A_33 : vector<64x1xf32> to vector<64x128xf32>
      %mul3A_46 = vector.broadcast %get3A_44 : vector<1x128xf32> to vector<64x128xf32>
      %mul3A_47 = arith.mulf %mul3A_45, %mul3A_46 : vector<64x128xf32>
      %sin3A = math.sin %mul3A_41 : vector<64x64xf32>
      %get3A_48 = arith.constant 0 : index
      %get3A_49 = arith.constant 0 : index
      %get3A_50 = vector.load %arg8[%get3A_48, %get3A_49] : memref<64x128xf32, #tpu.memory_space<vmem>>, vector<64x128xf32>
      %dot_general3A_51 = arith.constant dense<0.000000e+00> : vector<64x128xf32>
      %dot_general3A_52 = tpu.matmul %sin3A, %get3A_50, %dot_general3A_51 {dimension_numbers = #tpu.dot_dimension_numbers<[1], [0], [0], [1], [0, 0, 1, 1], [], []>, transpose_lhs_hint = false} : vector<64x64xf32>, vector<64x128xf32>, vector<64x128xf32> -> vector<64x128xf32>
      %add3A_53 = arith.addf %mul3A_47, %dot_general3A_52 : vector<64x128xf32>
      %cos3A = math.cos %mul3A_41 : vector<64x64xf32>
      %get3A_54 = arith.constant 0 : index
      %get3A_55 = arith.constant 0 : index
      %get3A_56 = vector.load %arg9[%get3A_54, %get3A_55] : memref<64x128xf32, #tpu.memory_space<vmem>>, vector<64x128xf32>
      %dot_general3A_57 = arith.constant dense<0.000000e+00> : vector<64x128xf32>
      %dot_general3A_58 = tpu.matmul %cos3A, %get3A_56, %dot_general3A_57 {dimension_numbers = #tpu.dot_dimension_numbers<[1], [0], [0], [1], [0, 0, 1, 1], [], []>, transpose_lhs_hint = false} : vector<64x64xf32>, vector<64x128xf32>, vector<64x128xf32> -> vector<64x128xf32>
      %add3A_59 = arith.addf %add3A_53, %dot_general3A_58 : vector<64x128xf32>
      %get3A_60 = arith.constant 0 : index
      %get3A_61 = arith.constant 0 : index
      %get3A_62 = vector.load %arg10[%get3A_60, %get3A_61] : memref<1x128xf32, #tpu.memory_space<vmem>>, vector<1x128xf32>
      %add3A_63 = vector.broadcast %get3A_62 : vector<1x128xf32> to vector<64x128xf32>
      %add3A_64 = arith.addf %add3A_59, %add3A_63 : vector<64x128xf32>
      %get3A_65 = arith.constant 0 : index
      %get3A_66 = arith.constant 0 : index
      %get3A_67 = vector.load %arg11[%get3A_65, %get3A_66] : memref<128x2xf32, #tpu.memory_space<vmem>>, vector<128x2xf32>
      %dot_general3A_68 = arith.constant dense<0.000000e+00> : vector<64x2xf32>
      %dot_general3A_69 = tpu.matmul %add3A_64, %get3A_67, %dot_general3A_68 {dimension_numbers = #tpu.dot_dimension_numbers<[1], [0], [0], [1], [0, 0, 1, 1], [], []>, transpose_lhs_hint = false} : vector<64x128xf32>, vector<128x2xf32>, vector<64x2xf32> -> vector<64x2xf32>
      %get3A_70 = arith.constant 0 : index
      %get3A_71 = arith.constant 0 : index
      %get3A_72 = vector.load %arg12[%get3A_70, %get3A_71] : memref<1x2xf32, #tpu.memory_space<vmem>>, vector<1x2xf32>
      %add3A_73 = vector.broadcast %get3A_72 : vector<1x2xf32> to vector<64x2xf32>
      %add3A_74 = arith.addf %dot_general3A_69, %add3A_73 : vector<64x2xf32>
      %slice3A = vector.extract_strided_slice %add3A_74 {offsets = [0, 0], sizes = [64, 1], strides = [1, 1]} : vector<64x2xf32> to vector<64x1xf32>
      %get3A_75 = arith.constant 0 : index
      %get3A_76 = arith.constant 0 : index
      %get3A_77 = vector.load %arg13[%get3A_75, %get3A_76] : memref<2x128xf32, #tpu.memory_space<vmem>>, vector<1x128xf32>
      %mul3A_78 = vector.broadcast %slice3A : vector<64x1xf32> to vector<64x128xf32>
      %mul3A_79 = vector.broadcast %get3A_77 : vector<1x128xf32> to vector<64x128xf32>
      %mul3A_80 = arith.mulf %mul3A_78, %mul3A_79 : vector<64x128xf32>
      %slice3A_81 = vector.extract_strided_slice %add3A_74 {offsets = [0, 1], sizes = [64, 1], strides = [1, 1]} : vector<64x2xf32> to vector<64x1xf32>
      %get3A_82 = arith.constant 1 : index
      %get3A_83 = arith.constant 0 : index
      %get3A_84 = vector.load %arg13[%get3A_82, %get3A_83] : memref<2x128xf32, #tpu.memory_space<vmem>>, vector<1x128xf32>
      %mul3A_85 = vector.broadcast %slice3A_81 : vector<64x1xf32> to vector<64x128xf32>
      %mul3A_86 = vector.broadcast %get3A_84 : vector<1x128xf32> to vector<64x128xf32>
      %mul3A_87 = arith.mulf %mul3A_85, %mul3A_86 : vector<64x128xf32>
      %add3A_88 = arith.addf %mul3A_80, %mul3A_87 : vector<64x128xf32>
      %get3A_89 = arith.constant 0 : index
      %get3A_90 = arith.constant 0 : index
      %get3A_91 = vector.load %arg16[%get3A_89, %get3A_90] : memref<64x128xf32, #tpu.memory_space<vmem>>, vector<64x128xf32>
      %mul3A_92 = arith.mulf %get3A_91, %add3A_88 : vector<64x128xf32>
      %swap3A_93 = arith.constant 0 : index
      %swap3A_94 = arith.constant 0 : index
      %swap3A_95 = vector.load %arg15[%swap3A_93, %swap3A_94] : memref<64x128xf32, #tpu.memory_space<vmem>>, vector<64x128xf32>
      tpu.vector_store %arg15[%swap3A_93, %swap3A_94], %mul3A_92 {strides = array<i32>} : memref<64x128xf32, #tpu.memory_space<vmem>>, vector<64x128xf32>,
    } else {
    }
    return
  }
  func.func @transform_0(%arg0: i32) -> (i32, i32) {
    %c0_i32 = arith.constant 0 : i32
    %c0_i32_0 = arith.constant 0 : i32
    return %arg0, %c0_i32 : i32, i32
  }
  func.func @transform_1(%arg0: i32) -> (i32, i32) {
    %c0_i32 = arith.constant 0 : i32
    %c0_i32_0 = arith.constant 0 : i32
    return %arg0, %c0_i32 : i32, i32
  }
  func.func @transform_2(%arg0: i32) -> (i32, i32) {
    %c0_i32 = arith.constant 0 : i32
    %c0_i32_0 = arith.constant 0 : i32
    %c0_i32_1 = arith.constant 0 : i32
    return %c0_i32, %c0_i32_0 : i32, i32
  }
  func.func @transform_3(%arg0: i32) -> (i32, i32) {
    %c0_i32 = arith.constant 0 : i32
    %c0_i32_0 = arith.constant 0 : i32
    %c0_i32_1 = arith.constant 0 : i32
    return %c0_i32, %c0_i32_0 : i32, i32
  }
  func.func @transform_4(%arg0: i32) -> (i32, i32) {
    %c0_i32 = arith.constant 0 : i32
    %c0_i32_0 = arith.constant 0 : i32
    %c0_i32_1 = arith.constant 0 : i32
    return %c0_i32, %c0_i32_0 : i32, i32
  }
  func.func @transform_5(%arg0: i32) -> (i32, i32) {
    %c0_i32 = arith.constant 0 : i32
    %c0_i32_0 = arith.constant 0 : i32
    %c0_i32_1 = arith.constant 0 : i32
    return %c0_i32, %c0_i32_0 : i32, i32
  }
  func.func @transform_6(%arg0: i32) -> (i32, i32) {
    %c0_i32 = arith.constant 0 : i32
    %c0_i32_0 = arith.constant 0 : i32
    %c0_i32_1 = arith.constant 0 : i32
    return %c0_i32, %c0_i32_0 : i32, i32
  }
  func.func @transform_7(%arg0: i32) -> (i32, i32) {
    %c0_i32 = arith.constant 0 : i32
    %c0_i32_0 = arith.constant 0 : i32
    %c0_i32_1 = arith.constant 0 : i32
    return %c0_i32, %c0_i32_0 : i32, i32
  }
  func.func @transform_8(%arg0: i32) -> (i32, i32) {
    %c0_i32 = arith.constant 0 : i32
    %c0_i32_0 = arith.constant 0 : i32
    %c0_i32_1 = arith.constant 0 : i32
    return %c0_i32, %c0_i32_0 : i32, i32
  }
  func.func @transform_9(%arg0: i32) -> (i32, i32) {
    %c0_i32 = arith.constant 0 : i32
    %c0_i32_0 = arith.constant 0 : i32
    %c0_i32_1 = arith.constant 0 : i32
    return %c0_i32, %c0_i32_0 : i32, i32
  }
  func.func @transform_10(%arg0: i32) -> (i32, i32) {
    %c0_i32 = arith.constant 0 : i32
    %c0_i32_0 = arith.constant 0 : i32
    %c0_i32_1 = arith.constant 0 : i32
    return %c0_i32, %c0_i32_0 : i32, i32
  }
  func.func @transform_11(%arg0: i32) -> (i32, i32) {
    %c0_i32 = arith.constant 0 : i32
    %c0_i32_0 = arith.constant 0 : i32
    %c0_i32_1 = arith.constant 0 : i32
    return %c0_i32, %c0_i32_0 : i32, i32
  }
  func.func @transform_12(%arg0: i32) -> (i32, i32) {
    %c0_i32 = arith.constant 0 : i32
    %c0_i32_0 = arith.constant 0 : i32
    %c0_i32_1 = arith.constant 0 : i32
    return %c0_i32, %c0_i32_0 : i32, i32
  }
  func.func @transform_13(%arg0: i32) -> (i32, i32) {
    %c0_i32 = arith.constant 0 : i32
    %c0_i32_0 = arith.constant 0 : i32
    return %arg0, %c0_i32 : i32, i32
  }
  func.func @transform_14(%arg0: i32) -> (i32, i32) {
    %c0_i32 = arith.constant 0 : i32
    %c0_i32_0 = arith.constant 0 : i32
    %c0_i32_1 = arith.constant 0 : i32
    return %c0_i32, %c0_i32_0 : i32, i32
  }
}

module attributes {stable_mosaic.version = 14 : i64} {
  func.func @_hspec_kernel(%arg0: i32, %arg1: memref<1000x128xf32, #tpu.memory_space<vmem>>, %arg2: memref<1000x64xf32, #tpu.memory_space<vmem>>, %arg3: memref<64x128xf32, #tpu.memory_space<vmem>>, %arg4: memref<1x128xf32, #tpu.memory_space<vmem>>, %arg5: memref<1000x128xf32, #tpu.memory_space<vmem>>) attributes {dimension_semantics = [#tpu.dimension_semantics<arbitrary>], iteration_bounds = array<i64: 10>, scalar_prefetch = 0 : i64, scratch_operands = 0 : i64, tpu.core_type = #tpu.core_type<tc>, window_params = [{transform_indices = @transform_0, window_bounds = array<i64: 1000, 128>}, {transform_indices = @transform_1, window_bounds = array<i64: 1000, 64>}, {pipeline_mode = #tpu.pipeline_mode<synchronous>, transform_indices = @transform_2, window_bounds = array<i64: 64, 128>}, {pipeline_mode = #tpu.pipeline_mode<synchronous>, transform_indices = @transform_3, window_bounds = array<i64: 1, 128>}, {transform_indices = @transform_4, window_bounds = array<i64: 1000, 128>}]} {
    %get3A = arith.constant 0 : index
    %get3A_0 = arith.constant 0 : index
    %get3A_1 = vector.load %arg4[%get3A, %get3A_0] : memref<1x128xf32, #tpu.memory_space<vmem>>, vector<1x128xf32>
    %get3A_2 = arith.constant 0 : index
    %get3A_3 = arith.constant 0 : index
    %get3A_4 = vector.load %arg1[%get3A_2, %get3A_3] : memref<1000x128xf32, #tpu.memory_space<vmem>>, vector<1000x128xf32>
    %mul3A = vector.broadcast %get3A_1 : vector<1x128xf32> to vector<1000x128xf32>
    %mul3A_5 = arith.mulf %mul3A, %get3A_4 : vector<1000x128xf32>
    %get3A_6 = arith.constant 0 : index
    %get3A_7 = arith.constant 0 : index
    %get3A_8 = vector.load %arg2[%get3A_6, %get3A_7] : memref<1000x64xf32, #tpu.memory_space<vmem>>, vector<1000x64xf32>
    %get3A_9 = arith.constant 0 : index
    %get3A_10 = arith.constant 0 : index
    %get3A_11 = vector.load %arg3[%get3A_9, %get3A_10] : memref<64x128xf32, #tpu.memory_space<vmem>>, vector<64x128xf32>
    %dot_general3A = arith.constant dense<0.000000e+00> : vector<1000x128xf32>
    %dot_general3A_12 = tpu.matmul %get3A_8, %get3A_11, %dot_general3A {dimension_numbers = #tpu.dot_dimension_numbers<[1], [0], [0], [1], [0, 0, 1, 1], [], []>, transpose_lhs_hint = false} : vector<1000x64xf32>, vector<64x128xf32>, vector<1000x128xf32> -> vector<1000x128xf32>
    %add3A = arith.addf %mul3A_5, %dot_general3A_12 : vector<1000x128xf32>
    %swap3A = arith.constant 0 : index
    %swap3A_13 = arith.constant 0 : index
    %swap3A_14 = vector.load %arg5[%swap3A, %swap3A_13] : memref<1000x128xf32, #tpu.memory_space<vmem>>, vector<1000x128xf32>
    tpu.vector_store %arg5[%swap3A, %swap3A_13], %add3A {strides = array<i32>} : memref<1000x128xf32, #tpu.memory_space<vmem>>, vector<1000x128xf32>,
    return
  }
  func.func @transform_0(%arg0: i32) -> (i32, i32) {
    %c0_i32 = arith.constant 0 : i32
    %c0_i32_0 = arith.constant 0 : i32
    return %arg0, %c0_i32 : i32, i32
  }
  func.func @transform_1(%arg0: i32) -> (i32, i32) {
    %c0_i32 = arith.constant 0 : i32
    %c0_i32_0 = arith.constant 0 : i32
    return %arg0, %c0_i32 : i32, i32
  }
  func.func @transform_2(%arg0: i32) -> (i32, i32) {
    %c0_i32 = arith.constant 0 : i32
    %c0_i32_0 = arith.constant 0 : i32
    %c0_i32_1 = arith.constant 0 : i32
    return %c0_i32, %c0_i32_0 : i32, i32
  }
  func.func @transform_3(%arg0: i32) -> (i32, i32) {
    %c0_i32 = arith.constant 0 : i32
    %c0_i32_0 = arith.constant 0 : i32
    %c0_i32_1 = arith.constant 0 : i32
    return %c0_i32, %c0_i32_0 : i32, i32
  }
  func.func @transform_4(%arg0: i32) -> (i32, i32) {
    %c0_i32 = arith.constant 0 : i32
    %c0_i32_0 = arith.constant 0 : i32
    return %arg0, %c0_i32 : i32, i32
  }
}

module attributes {stable_mosaic.version = 14 : i64} {
  func.func @_post_kernel(%arg0: i32, %arg1: memref<1000x128xf32, #tpu.memory_space<vmem>>, %arg2: memref<2x1000x128xf32, #tpu.memory_space<vmem>>, %arg3: memref<2x1000x128xf32, #tpu.memory_space<vmem>>, %arg4: memref<128x128xf32, #tpu.memory_space<vmem>>, %arg5: memref<128x64xf32, #tpu.memory_space<vmem>>, %arg6: memref<1x64xf32, #tpu.memory_space<vmem>>, %arg7: memref<64x64xf32, #tpu.memory_space<vmem>>, %arg8: memref<1x64xf32, #tpu.memory_space<vmem>>, %arg9: memref<1000x64xf32, #tpu.memory_space<vmem>>) attributes {dimension_semantics = [#tpu.dimension_semantics<arbitrary>], iteration_bounds = array<i64: 10>, scalar_prefetch = 0 : i64, scratch_operands = 0 : i64, tpu.core_type = #tpu.core_type<tc>, window_params = [{transform_indices = @transform_0, window_bounds = array<i64: 1000, 128>}, {transform_indices = @transform_1, window_bounds = array<i64: 2, 1000, 128>}, {transform_indices = @transform_2, window_bounds = array<i64: 2, 1000, 128>}, {pipeline_mode = #tpu.pipeline_mode<synchronous>, transform_indices = @transform_3, window_bounds = array<i64: 128, 128>}, {pipeline_mode = #tpu.pipeline_mode<synchronous>, transform_indices = @transform_4, window_bounds = array<i64: 128, 64>}, {pipeline_mode = #tpu.pipeline_mode<synchronous>, transform_indices = @transform_5, window_bounds = array<i64: 1, 64>}, {pipeline_mode = #tpu.pipeline_mode<synchronous>, transform_indices = @transform_6, window_bounds = array<i64: 64, 64>}, {pipeline_mode = #tpu.pipeline_mode<synchronous>, transform_indices = @transform_7, window_bounds = array<i64: 1, 64>}, {transform_indices = @transform_8, window_bounds = array<i64: 1000, 64>}]} {
    %get3A = arith.constant 0 : index
    %get3A_0 = arith.constant 0 : index
    %get3A_1 = arith.constant 0 : index
    %get3A_2 = vector.load %arg2[%get3A, %get3A_0, %get3A_1] : memref<2x1000x128xf32, #tpu.memory_space<vmem>>, vector<1x1000x128xf32>
    %get3A_3 = vector.shape_cast %get3A_2 : vector<1x1000x128xf32> to vector<1000x128xf32>
    %get3A_4 = arith.constant 1 : index
    %get3A_5 = arith.constant 0 : index
    %get3A_6 = arith.constant 0 : index
    %get3A_7 = vector.load %arg2[%get3A_4, %get3A_5, %get3A_6] : memref<2x1000x128xf32, #tpu.memory_space<vmem>>, vector<1x1000x128xf32>
    %get3A_8 = vector.shape_cast %get3A_7 : vector<1x1000x128xf32> to vector<1000x128xf32>
    %add3A = arith.addf %get3A_3, %get3A_8 : vector<1000x128xf32>
    %get3A_9 = arith.constant 0 : index
    %get3A_10 = arith.constant 0 : index
    %get3A_11 = arith.constant 0 : index
    %get3A_12 = vector.load %arg3[%get3A_9, %get3A_10, %get3A_11] : memref<2x1000x128xf32, #tpu.memory_space<vmem>>, vector<1x1000x1xf32>
    %get3A_13 = vector.shape_cast %get3A_12 : vector<1x1000x1xf32> to vector<1000x1xf32>
    %get3A_14 = arith.constant 1 : index
    %get3A_15 = arith.constant 0 : index
    %get3A_16 = arith.constant 0 : index
    %get3A_17 = vector.load %arg3[%get3A_14, %get3A_15, %get3A_16] : memref<2x1000x128xf32, #tpu.memory_space<vmem>>, vector<1x1000x1xf32>
    %get3A_18 = vector.shape_cast %get3A_17 : vector<1x1000x1xf32> to vector<1000x1xf32>
    %add3A_19 = arith.addf %get3A_13, %get3A_18 : vector<1000x1xf32>
    %max3A = arith.constant 1.000000e+00 : f32
    %max3A_20 = vector.broadcast %max3A : f32 to vector<1000x1xf32>
    %max3A_21 = arith.maximumf %add3A_19, %max3A_20 : vector<1000x1xf32>
    %div3A = vector.broadcast %max3A_21 : vector<1000x1xf32> to vector<1000x128xf32>
    %div3A_22 = arith.divf %add3A, %div3A : vector<1000x128xf32>
    %mul3A = arith.constant 0.899999976 : f32
    %mul3A_23 = vector.broadcast %mul3A : f32 to vector<1000x128xf32>
    %mul3A_24 = arith.mulf %mul3A_23, %div3A_22 : vector<1000x128xf32>
    %get3A_25 = arith.constant 0 : index
    %get3A_26 = arith.constant 0 : index
    %get3A_27 = vector.load %arg1[%get3A_25, %get3A_26] : memref<1000x128xf32, #tpu.memory_space<vmem>>, vector<1000x128xf32>
    %mul3A_28 = arith.constant 1.000000e-01 : f32
    %mul3A_29 = vector.broadcast %mul3A_28 : f32 to vector<1000x128xf32>
    %mul3A_30 = arith.mulf %mul3A_29, %get3A_27 : vector<1000x128xf32>
    %add3A_31 = arith.addf %mul3A_24, %mul3A_30 : vector<1000x128xf32>
    %get3A_32 = arith.constant 0 : index
    %get3A_33 = arith.constant 0 : index
    %get3A_34 = vector.load %arg4[%get3A_32, %get3A_33] : memref<128x128xf32, #tpu.memory_space<vmem>>, vector<128x128xf32>
    %dot_general3A = arith.constant dense<0.000000e+00> : vector<1000x128xf32>
    %dot_general3A_35 = tpu.matmul %add3A_31, %get3A_34, %dot_general3A {dimension_numbers = #tpu.dot_dimension_numbers<[1], [0], [0], [1], [0, 0, 1, 1], [], []>, transpose_lhs_hint = false} : vector<1000x128xf32>, vector<128x128xf32>, vector<1000x128xf32> -> vector<1000x128xf32>
    %mul3A_36 = arith.constant 0.405465096 : f32
    %mul3A_37 = vector.broadcast %mul3A_36 : f32 to vector<1000x128xf32>
    %mul3A_38 = arith.mulf %mul3A_37, %dot_general3A_35 : vector<1000x128xf32>
    %mul3A_39 = arith.constant 0.594534874 : f32
    %mul3A_40 = vector.broadcast %mul3A_39 : f32 to vector<1000x128xf32>
    %mul3A_41 = arith.mulf %mul3A_40, %add3A_31 : vector<1000x128xf32>
    %add3A_42 = arith.addf %mul3A_38, %mul3A_41 : vector<1000x128xf32>
    %get3A_43 = arith.constant 0 : index
    %get3A_44 = arith.constant 0 : index
    %get3A_45 = vector.load %arg5[%get3A_43, %get3A_44] : memref<128x64xf32, #tpu.memory_space<vmem>>, vector<128x64xf32>
    %dot_general3A_46 = arith.constant dense<0.000000e+00> : vector<1000x64xf32>
    %dot_general3A_47 = tpu.matmul %add3A_42, %get3A_45, %dot_general3A_46 {dimension_numbers = #tpu.dot_dimension_numbers<[1], [0], [0], [1], [0, 0, 1, 1], [], []>, transpose_lhs_hint = false} : vector<1000x128xf32>, vector<128x64xf32>, vector<1000x64xf32> -> vector<1000x64xf32>
    %get3A_48 = arith.constant 0 : index
    %get3A_49 = arith.constant 0 : index
    %get3A_50 = vector.load %arg6[%get3A_48, %get3A_49] : memref<1x64xf32, #tpu.memory_space<vmem>>, vector<1x64xf32>
    %add3A_51 = vector.broadcast %get3A_50 : vector<1x64xf32> to vector<1000x64xf32>
    %add3A_52 = arith.addf %dot_general3A_47, %add3A_51 : vector<1000x64xf32>
    %max3A_53 = arith.constant 0.000000e+00 : f32
    %max3A_54 = vector.broadcast %max3A_53 : f32 to vector<1000x64xf32>
    %max3A_55 = arith.maximumf %add3A_52, %max3A_54 : vector<1000x64xf32>
    %get3A_56 = arith.constant 0 : index
    %get3A_57 = arith.constant 0 : index
    %get3A_58 = vector.load %arg7[%get3A_56, %get3A_57] : memref<64x64xf32, #tpu.memory_space<vmem>>, vector<64x64xf32>
    %dot_general3A_59 = arith.constant dense<0.000000e+00> : vector<1000x64xf32>
    %dot_general3A_60 = tpu.matmul %max3A_55, %get3A_58, %dot_general3A_59 {dimension_numbers = #tpu.dot_dimension_numbers<[1], [0], [0], [1], [0, 0, 1, 1], [], []>, transpose_lhs_hint = false} : vector<1000x64xf32>, vector<64x64xf32>, vector<1000x64xf32> -> vector<1000x64xf32>
    %get3A_61 = arith.constant 0 : index
    %get3A_62 = arith.constant 0 : index
    %get3A_63 = vector.load %arg8[%get3A_61, %get3A_62] : memref<1x64xf32, #tpu.memory_space<vmem>>, vector<1x64xf32>
    %add3A_64 = vector.broadcast %get3A_63 : vector<1x64xf32> to vector<1000x64xf32>
    %add3A_65 = arith.addf %dot_general3A_60, %add3A_64 : vector<1000x64xf32>
    %swap3A = arith.constant 0 : index
    %swap3A_66 = arith.constant 0 : index
    %swap3A_67 = vector.load %arg9[%swap3A, %swap3A_66] : memref<1000x64xf32, #tpu.memory_space<vmem>>, vector<1000x64xf32>
    tpu.vector_store %arg9[%swap3A, %swap3A_66], %add3A_65 {strides = array<i32>} : memref<1000x64xf32, #tpu.memory_space<vmem>>, vector<1000x64xf32>,
    return
  }
  func.func @transform_0(%arg0: i32) -> (i32, i32) {
    %c0_i32 = arith.constant 0 : i32
    %c0_i32_0 = arith.constant 0 : i32
    return %arg0, %c0_i32 : i32, i32
  }
  func.func @transform_1(%arg0: i32) -> (i32, i32, i32) {
    %c0_i32 = arith.constant 0 : i32
    %c0_i32_0 = arith.constant 0 : i32
    %c0_i32_1 = arith.constant 0 : i32
    return %c0_i32, %arg0, %c0_i32_0 : i32, i32, i32
  }
  func.func @transform_2(%arg0: i32) -> (i32, i32, i32) {
    %c0_i32 = arith.constant 0 : i32
    %c0_i32_0 = arith.constant 0 : i32
    %c0_i32_1 = arith.constant 0 : i32
    return %c0_i32, %arg0, %c0_i32_0 : i32, i32, i32
  }
  func.func @transform_3(%arg0: i32) -> (i32, i32) {
    %c0_i32 = arith.constant 0 : i32
    %c0_i32_0 = arith.constant 0 : i32
    %c0_i32_1 = arith.constant 0 : i32
    return %c0_i32, %c0_i32_0 : i32, i32
  }
  func.func @transform_4(%arg0: i32) -> (i32, i32) {
    %c0_i32 = arith.constant 0 : i32
    %c0_i32_0 = arith.constant 0 : i32
    %c0_i32_1 = arith.constant 0 : i32
    return %c0_i32, %c0_i32_0 : i32, i32
  }
  func.func @transform_5(%arg0: i32) -> (i32, i32) {
    %c0_i32 = arith.constant 0 : i32
    %c0_i32_0 = arith.constant 0 : i32
    %c0_i32_1 = arith.constant 0 : i32
    return %c0_i32, %c0_i32_0 : i32, i32
  }
  func.func @transform_6(%arg0: i32) -> (i32, i32) {
    %c0_i32 = arith.constant 0 : i32
    %c0_i32_0 = arith.constant 0 : i32
    %c0_i32_1 = arith.constant 0 : i32
    return %c0_i32, %c0_i32_0 : i32, i32
  }
  func.func @transform_7(%arg0: i32) -> (i32, i32) {
    %c0_i32 = arith.constant 0 : i32
    %c0_i32_0 = arith.constant 0 : i32
    %c0_i32_1 = arith.constant 0 : i32
    return %c0_i32, %c0_i32_0 : i32, i32
  }
  func.func @transform_8(%arg0: i32) -> (i32, i32) {
    %c0_i32 = arith.constant 0 : i32
    %c0_i32_0 = arith.constant 0 : i32
    return %arg0, %c0_i32 : i32, i32
  }
}

</mosaic_0001>

<sc_bundles>
// kernel: kernel.6.cloned.1.call-start
scs
__scs_entry_jumppad:
0x0: {  	(pc) =	sbr.rel $0x88, $3  }
0x1: {  	(tag) =	ssettag $0x0;
	lr =	simm.s32 $0x1  }
0x2: {  	[smem:$0x3F91] =	sst lr;
	_ =	strace $0xD0000000  }
0x3: {  	_ = 	snop  }
0x4: {  	_ = 	snop  }
0x5: {  	_ = 	snop  }
0x6: {  	_ = 	snop  }
0x7: {  	_ = 	snop  }
__scs_overlays_trampoline_lowered:
0x8: {  	[smem:$0x3FA0] =	sst s0  }
0x9: {  	[smem:$0x3FA1] =	sst s1  }
0xa: {  	[smem:$0x3FA2] =	sst s2  }
0xb: {  	[smem:$0x3FA3] =	sst s3  }
0xc: {  	[smem:$0x3FA4] =	sst s4  }
0xd: {  	[smem:$0x3FA5] =	sst s5  }
0xe: {  	[smem:$0x3FA6] =	sst s6  }
0xf: {  	[smem:$0x3FA7] =	sst s7  }
0x10: {  	[smem:$0x3FA8] =	sst s8  }
0x11: {  	[smem:$0x3FA9] =	sst s9;
	s0 =	simm.s32 @!p0 $0x0  }
0x12: {  	s1 =	sld [smem:$0x3F8F];
	s0 =	simm.s32 @p0 $0x1  }
0x13: {  	[smem:$0x3FAA] =	sst s0;
	s0 =	simm.s32 @!p1 $0x0  }
0x14: {  	s2 =	sld [smem:$0x3F8E];
	s0 =	simm.s32 @p1 $0x1  }
0x15: {  	[smem:$0x3FAB] =	sst s0;
	s0 =	simm.s32 @!p2 $0x0  }
0x16: {  	s3 =	sld [smem:$0x3FDB];
	s0 =	simm.s32 @p2 $0x1  }
0x17: {  	s4 =	simm.s32 $0x1BF5;
	[smem:$0x3FAD] =	sst s0  }
0x18: {  	s0 =	sld [smem:$0x3F90];
	_ =	swait.ge [sflag:s4], $0x0  }
0x19: {  	s7 =	sld [smem:$0x3F91]  }
0x1a: {  	s8 =	sadd.s32 $0xFFFFE003, lr  }
0x1b: {  	s9 =	sadd.s32 $0xFFFFFEF7, lr;
	s5 =	simm.s32 $0xFFFFFFFF;
	p2 =	slt.u32 s8, $0xFFFFF086  }
0x1c: {  	p1 =	slt.u32 s9, $0xF7A;
	s5 =	simm.s32 @!p2 $0x0  }
0x1d: {  	s5 =	simm.s32 @p1 $0x1;
	p0 =	seq.s32 s7, s2  }
0x1e: {  	s7 =	smul.u32 @!p0 $0xF7A, s2;
	p2 =	seq.s32 @!p0 s5, $0x0  }
0x1f: {  	s9 =	smul.u32 $0xF7A, s1;
	s8 =	simm.s32 @!p0 $0x1BF5;
	p2 =	por !p2, p0  }
0x20: {  	[sflag:s8] =	ssyncset.s32 @!p0 $0xFFFFF086;
	s6 =	sadd.s32 @!p0 s3, s7;
	s7 =	simm.s32 @!p0 $0x108  }
0x21: {  	s3 =	sadd.s32 s3, s9;
	s6 =	sadd.s32 @!p0 $0x88, s6;
	s7 =	simm.s32 @p2 $0x1082  }
0x22: {  	[simem:s7], [sflag:s8] =	dma.local @!p0 [hbm:s6], $0xF7A  }
0x23: {  	s9 =	sor.u32 $0xD0000000, s2;
	s6 =	simm.s32 $0x108;
	_ =	swait.ge @!p0 [sflag:s8], $0x0  }
0x24: {  	s3 =	sadd.s32 $0x88, s3;
	s6 =	simm.s32 @!p1 $0x1082;
	[sflag:s4] =	ssyncset.s32 $0xFFFFF086  }
0x25: {  	[simem:s6], [sflag:s4] =	dma.local [hbm:s3], $0xF7A  }
0x26: {  	[smem:$0x3F91] =	sst s1;
	(tag) =	ssettag s2;
	_ =	strace s9  }
0x27: {  	s1 =	sld [smem:$0x3FA1]  }
0x28: {  	s2 =	sld [smem:$0x3FA2]  }
0x29: {  	s4 =	sld [smem:$0x3FA4]  }
0x2a: {  	p0 =	seq.s32 s5, $0x0;
	s5 =	sld [smem:$0x3FA5]  }
0x2b: {  	s6 =	sld [smem:$0x3FA6]  }
0x2c: {  	s7 =	sld [smem:$0x3FA7]  }
0x2d: {  	s3 =	simm.s32 $0x108;
	s8 =	sld [smem:$0x3FA8]  }
0x2e: {  	s3 =	simm.s32 @!p0 $0x1082;
	s9 =	sld [smem:$0x3FA9]  }
0x2f: {  	lr =	sadd.s32 s0, s3;
	s0 =	sld [smem:$0x3FA0]  }
0x30: {  	s3 =	sld [smem:$0x3FA3]  }
0x31: {  	[smem:$0x3FAC] =	sst s10  }
0x32: {  	s10 =	sld [smem:$0x3FAA];
	_ =	sdelay $0x3  }
0x33: {  	p0 =	seq.s32 s10, $0x1;
	s10 =	sld [smem:$0x3FAC];
	_ =	sdelay $0x3  }
0x34: {  	[smem:$0x3FAC] =	sst s10  }
0x35: {  	s10 =	sld [smem:$0x3FAB];
	_ =	sdelay $0x3  }
0x36: {  	p1 =	seq.s32 s10, $0x1;
	s10 =	sld [smem:$0x3FAC];
	_ =	sdelay $0x3  }
0x37: {  	[smem:$0x3FAC] =	sst s10  }
0x38: {  	s10 =	sld [smem:$0x3FAD]  }
0x39: {  	_ = 	snop;
	(pc) =	sbr.ind lr, $3  }
0x3a: {  	_ = 	snop  }
0x3b: {  	_ = 	snop  }
0x3c: {  	p2 =	seq.s32 s10, $0x1;
	s10 =	sld [smem:$0x3FAC]  }
0x3d: {  	_ =	shalt  }
0x3e: {  	_ =	shalt  }
0x3f: {  	_ =	shalt  }
0x40: {  	_ =	shalt  }
0x41: {  	_ =	shalt  }
0x42: {  	_ =	shalt  }
0x43: {  	_ =	shalt  }
0x44: {  	_ =	shalt  }
0x45: {  	_ =	shalt  }
0x46: {  	_ =	shalt  }
0x47: {  	_ =	shalt  }
0x48: {  	_ =	shalt  }
0x49: {  	_ =	shalt  }
0x4a: {  	_ =	shalt  }
0x4b: {  	_ =	shalt  }
0x4c: {  	_ =	shalt  }
0x4d: {  	_ =	shalt  }
0x4e: {  	_ =	shalt  }
0x4f: {  	_ =	shalt  }
0x50: {  	_ =	shalt  }
0x51: {  	_ =	shalt  }
0x52: {  	_ =	shalt  }
0x53: {  	_ =	shalt  }
0x54: {  	_ =	shalt  }
0x55: {  	_ =	shalt  }
0x56: {  	_ =	shalt  }
0x57: {  	_ =	shalt  }
0x58: {  	_ =	shalt  }
0x59: {  	_ =	shalt  }
0x5a: {  	_ =	shalt  }
0x5b: {  	_ =	shalt  }
0x5c: {  	_ =	shalt  }
0x5d: {  	_ =	shalt  }
0x5e: {  	_ =	shalt  }
0x5f: {  	_ =	shalt  }
0x60: {  	_ =	shalt  }
0x61: {  	_ =	shalt  }
0x62: {  	_ =	shalt  }
0x63: {  	_ =	shalt  }
0x64: {  	_ =	shalt  }
0x65: {  	_ =	shalt  }
0x66: {  	_ =	shalt  }
0x67: {  	_ =	shalt  }
0x68: {  	_ =	shalt  }
0x69: {  	_ =	shalt  }
0x6a: {  	_ =	shalt  }
0x6b: {  	_ =	shalt  }
0x6c: {  	_ =	shalt  }
0x6d: {  	_ =	shalt  }
0x6e: {  	_ =	shalt  }
0x6f: {  	_ =	shalt  }
0x70: {  	_ =	shalt  }
0x71: {  	_ =	shalt  }
0x72: {  	_ =	shalt  }
0x73: {  	_ =	shalt  }
0x74: {  	_ =	shalt  }
0x75: {  	_ =	shalt  }
0x76: {  	_ =	shalt  }
0x77: {  	_ =	shalt  }
0x78: {  	_ =	shalt  }
0x79: {  	_ =	shalt  }
0x7a: {  	_ =	shalt  }
0x7b: {  	_ =	shalt  }
0x7c: {  	_ =	shalt  }
0x7d: {  	_ =	shalt  }
0x7e: {  	_ =	shalt  }
0x7f: {  	_ =	shalt  }
0x80: {  	_ =	shalt  }
0x81: {  	_ =	shalt  }
0x82: {  	_ =	shalt  }
0x83: {  	_ =	shalt  }
0x84: {  	_ =	shalt  }
0x85: {  	_ =	shalt  }
0x86: {  	_ =	shalt  }
0x87: {  	_ =	shalt  }
.Lfunc_end0:
.L_simem_size_0:
called_computation_lowered:
.L_overlay_start_0:
0x88: {  	s2 =	sld [smem:$0x3FD9]  }
0x89: {  	s3 =	sld [smem:$0x3FFE];
	_ =	sdelay $0x1  }
0x8a: {  	s1 =	srdreg.scid  }
0x8b: {  	s0 =	sand.u32 $0x1, s1  }
0x8c: {  	s17 =	sshll.u32 s0, $0xA;
	s2 =	sadd.s32 s3, s2  }
0x8d: {  	s2 =	sadd.s32 s2, s17  }
0x8e: {  	[smem:$0x3FB8] =	sst s2  }
0x8f: {  	_ = 	snop  }
0x90: {  	s2 =	sld [smem:$0x3FD0];
	(tm) =	ssettm $0x1  }
0x91: {  	s18 =	sld [smem:$0x3FFB];
	_ =	sdelay $0x3  }
0x92: {  	_ =	strace s18  }
0x93: {  	s3 =	sld [smem:$0x3FFC];
	_ =	sdelay $0x3  }
0x94: {  	_ =	strace s3  }
0x95: {  	s3 =	sld [smem:$0x3FFD];
	_ =	sdelay $0x3  }
0x96: {  	_ =	strace s3  }
0x97: {  	_ =	strace $0x8FFFFFFF  }
0x98: {  	s19 =	sld [smem:$0x3FDB];
	_ =	sdelay $0x1  }
0x99: {  	s4 =	simm.s32 $_scs_section_size  }
0x9a: {  	s5 =	simm.s32 $_size__tile_overlayer_lowered;
	s6 =	simm.s32 $_tile_overlayer_lowered  }
0x9b: {  	s22 =	simm.s32 $0x1BFF;
	s21 =	sshll.u32 s6, $0x1;
	s3 =	sadd.s32 s4, s19  }
0x9c: {  	s7 =	simm.s32 $0x0;
	s20 =	sshll.u32 s5, $0x1;
	s5 =	sadd.s32 s21, s3  }
0x9d: {  	[timem:s7], [sflag:s22] =	dma.local [hbm:s5], s20  }
0x9e: {  	_ =	swait.ge [sflag:s22], s20  }
0x9f: {  	s4 =	ssub.s32 $0x0, s20;
	[sflag:s22] =	ssyncset.done $0x0  }
0xa0: {  	[sflag:s22] =	ssyncadd.s32 s4;
	_ =	sdelay $0x1  }
0xa1: {  	s23 =	simm.s32 $0x1B8B  }
0xa2: {  	_ =	swait.ge [sflag:s23], $0x1  }
0xa3: {  	[sflag:s23] =	ssyncset.done $0x0  }
0xa4: {  	s25 =	simm.s32 $0x1B8E;
	s24 =	sld [smem:$0x3FFE];
	[sflag:s23] =	ssyncadd.s32 $0xFFFFFFFF  }
0xa5: {  	s26 =	simm.s32 $execute0_lowered;
	[smem:$0x3FD2] =	sst s25  }
0xa6: {  	s5 =	sshll.u32 s26, $0x1;
	_ =	strace $0x80000046;
	[dreg:$0x1] =	wrdreg $0xFFFFFFFF  }
0xa7: {  	s28 =	simm.s32 $_size_execute0_lowered;
	s3 =	sadd.s32 s3, s5;
	[dreg:$0x0] =	wrdreg $0x0  }
0xa8: {  	s5 =	sshll.u32 s28, $0x1;
	[dreg:$0x2] =	wrdreg s3  }
0xa9: {  	[dreg:$0x3] =	wrdreg s5  }
0xaa: {  	[dreg:$0x4] =	wrdreg $0xC0  }
0xab: {  	_ =	task [dreg:s7], $0x5FFFF  }
0xac: {  	[dreg:$0x1] =	wrdreg $0xFFFFFFFF  }
0xad: {  	[dreg:$0x0] =	wrdreg $0x60  }
0xae: {  	[dreg:$0x2] =	wrdreg s2  }
0xaf: {  	[dreg:$0x3] =	wrdreg s24  }
0xb0: {  	[dreg:$0x4] =	wrdreg $0x41800  }
0xb1: {  	[dreg:$0x5] =	wrdreg $0x9  }
0xb2: {  	_ =	task.clear_ibuf [dreg:s7], $0x6FFFF;
	_ =	strace $0x90000046  }
0xb3: {  	s29 =	simm.s32 $0x9;
	_ =	strace $0x80000048  }
0xb4: {  	_ =	swait.ge [sflag:s29], $0x1  }
0xb5: {  	[sflag:s29] =	ssyncadd.s32 $0xFFFFFFFF  }
0xb6: {  	_ =	strace $0x90000048  }
0xb7: {  	_ =	sfence  }
0xb8: {  	s30 =	sld [smem:$0x0];
	_ =	sdelay $0x2  }
0xb9: {  	s31 =	sshll.u32 s1, $0xD;
	s1 =	sshrl.u32 s1, $0x2  }
0xba: {  	s3 =	sand.u32 $0x4000, s31;
	s1 =	sadd.s32 s1, s30  }
0xbb: {  	s0 =	sor.u32 s3, s0;
	s1 =	sshll.u32 s1, $0x11  }
0xbc: {  	s0 =	sor.u32 s1, s0  }
0xbd: {  	s0 =	sadd.s32 $0x8F2B, s0  }
0xbe: {  	[sflag:s0] =	ssyncadd.remote.s32 $0x1  }
0xbf: {  	_ =	sfence.sel $0xFFFF  }
0xc0: {  	[dreg:$0x0] =	wrdreg $0xFFFFFFFF;
	(pc) =	sbr.abs _section_cstart, $3  }
0xc1: {  	[dreg:$0x1] =	wrdreg $0xFFFFFFFF  }
0xc2: {  	_ =	task.clear_ibuf [dreg:s7], $0x2FFFF;
	_ =	strace $0x9FFFFFFF  }
0xc3: {  	(tm) =	ssettm $0x7FFFFFFF  }
tec
execute0_lowered:
.L_overlay_start_1:
0x0: {  	(tag) =	ssettag $0x1  }
0x1: {  	s0 =	rddreg [dreg:$0x0]  }
0x2: {  	s1 =	rddreg [dreg:$0x1]  }
0x3: {  	s2 =	rddreg [dreg:$0x2]  }
0x4: {  	s3 =	simm.s32 $0x0;
	s16 =	stileid.u32;
	s8 =	srdreg.scid  }
0x5: {  	s28 =	simm.s32 $0x180;
	s29 =	simm.s32 $0x3;
	s30 =	simm.s32 $0x80  }
0x6: {  	s31 =	simm.s32 $0x1;
	[smem:$0x7FF] =	sst s3;
	s6 =	sadd.s32 $0x2800, s1  }
0x7: {  	s7 =	smul.u32 $0x280, s16;
	s4 =	sadd.s32 $0xC600, s1;
	s5 =	sadd.s32 $0x34600, s1  }
0x8: {  	s9 =	sadd.s32 $0x33E00, s1;
	s10 =	sand.u32 $0x1, s8;
	s13 =	sadd.s32 $0x34E00, s1  }
0x9: {  	s12 =	sshll.u32 s16, $0x1;
	s24 =	smul.u32 $0x4F00, s16;
	_ =	strace $0x80000047  }
0xa: {  	[dreg:$0x4] =	wrdreg s9;
	s8 =	ssub.s32 $0x2, s10;
	s14 =	smul.u32 $0x2800, s10  }
0xb: {  	s22 =	sor.u32 s10, s12;
	s10 =	smul.u32 $0x2780, s10;
	s21 =	sshrl.u32 s7, $0x3  }
0xc: {  	s11 =	sshrl.u32 s8, $0x1;
	s15 =	smul.u32 $0x2780, s22;
	s9 =	sadd.s32 s21, s1  }
0xd: {  	s1 =	sadd.s32 $0x84E00, s1;
	s26 =	ssub.s32 s8, s11;
	s23 =	sadd.s32 s7, s14  }
0xe: {  	s10 =	sadd.s32 s10, s24;
	s7 =	sadd.s32 $0x33800, s9;
	s8 =	sadd.s32 $0x33810, s9  }
0xf: {  	s14 =	sshll.u32 s23, $0x4;
	s24 =	sadd.s32 $0x80, s10;
	s10 =	sshrl.u32 s10, $0x3  }
0x10: {  	s26 =	smax.u32 s26, $0x1;
	s25 =	sadd.s32 $0x800, s14;
	s17 =	sadd.s32 $0x1000, s14  }
0x11: {  	s11 =	sadd.s32 s13, s14;
	s18 =	sadd.s32 $0x1800, s14;
	s19 =	sadd.s32 $0x2000, s14  }
0x12: {  	s14 =	sadd.s32 s1, s14;
	[dreg:$0x5] =	wrdreg s11;
	s20 =	sadd.s32 s13, s25  }
0x13: {  	s21 =	sadd.s32 s13, s17;
	s22 =	sadd.s32 s13, s18;
	[dreg:$0x6] =	wrdreg s20  }
0x14: {  	s23 =	sadd.s32 s13, s19;
	s16 =	sadd.s32 s1, s17;
	[dreg:$0x7] =	wrdreg s21  }
0x15: {  	s17 =	sadd.s32 s1, s18;
	s18 =	sadd.s32 s1, s19;
	[dreg:$0x8] =	wrdreg s22  }
0x16: {  	s19 =	sadd.s32 s10, s0;
	s0 =	simm.s32 $0x100;
	[dreg:$0x9] =	wrdreg s23  }
0x17: {  	s20 =	sshrl.u32 s15, $0x3;
	s15 =	sadd.s32 s1, s25;
	s1 =	sshrl.u32 s24, $0x3  }
0x18: {  	s22 =	sadd.s32 $0x33820, s9;
	s23 =	sadd.s32 $0x33830, s9;
	s24 =	sadd.s32 $0x33840, s9  }
0x19: {  	s25 =	sadd.s32 s6, s20;
	s20 =	sadd.s32 s10, s6;
	s21 =	sadd.s32 s1, s6  }
0x1a: {  	s1 =	simm.s32 $0x2;
	s6 =	simm.s32 $0x0;
	s25 =	sadd.s32 $0x4E0, s25  }
.LBB2_1:
0x1b: {  	[tilespmem:s28], [sflag:$0x3] =	stream.linear.gather [hbm4b:s5+s3], $0x4000, $0x38;
	[tilespmem:$0x18180] =	vst v63  }
0x1c: {  	_ =	swait.ge [sflag:s29], $0x4000  }
0x1d: {  	[sflag:s29] =	ssyncset.done $0x0  }
0x1e: {  	[sflag:s29] =	ssyncadd.s32 $0xFFFFC000  }
0x1f: {  	[tilespmem:s30], [sflag:$0x3] =	stream.linear.gather [hbm4b:s7+s3], $0x80, $0x38;
	[tilespmem:$0x18180] =	vst v63  }
0x20: {  	_ =	swait.ge [sflag:s29], $0x80  }
0x21: {  	[sflag:s29] =	ssyncset.done $0x0  }
0x22: {  	[sflag:s29] =	ssyncadd.s32 $0xFFFFFF80  }
0x23: {  	[spmem:s2] =	stream.indirect.scatter [tilespmem:s28], [sflag:$0x3], $0x80, s30, s30, $0xb8;
	[tilespmem:$0x18180] =	vst v63  }
0x24: {  	_ =	swait.ge [sflag:s29], $0x4000  }
0x25: {  	[sflag:s29] =	ssyncset.done $0x0  }
0x26: {  	[sflag:s29] =	ssyncadd.s32 $0xFFFFC000  }
0x27: {  	[tilespmem:s30], [sflag:$0x3] =	stream.linear.gather [hbm4b:s8+s3], $0x80, $0x38;
	[tilespmem:$0x18180] =	vst v63  }
0x28: {  	_ =	swait.ge [sflag:s29], $0x80  }
0x29: {  	[sflag:s29] =	ssyncset.done $0x0  }
0x2a: {  	[sflag:s29] =	ssyncadd.s32 $0xFFFFFF80  }
0x2b: {  	[spmem:s2] =	stream.indirect.scatter [tilespmem:s28], [sflag:$0x3], $0x80, s30, s30, $0xb8;
	[tilespmem:$0x18180] =	vst v63  }
0x2c: {  	_ =	swait.ge [sflag:s29], $0x4000  }
0x2d: {  	[sflag:s29] =	ssyncset.done $0x0  }
0x2e: {  	[sflag:s29] =	ssyncadd.s32 $0xFFFFC000  }
0x2f: {  	[tilespmem:s30], [sflag:$0x3] =	stream.linear.gather [hbm4b:s22+s3], $0x80, $0x38;
	[tilespmem:$0x18180] =	vst v63  }
0x30: {  	_ =	swait.ge [sflag:s29], $0x80  }
0x31: {  	[sflag:s29] =	ssyncset.done $0x0  }
0x32: {  	[sflag:s29] =	ssyncadd.s32 $0xFFFFFF80  }
0x33: {  	[spmem:s2] =	stream.indirect.scatter [tilespmem:s28], [sflag:$0x3], $0x80, s30, s30, $0xb8;
	[tilespmem:$0x18180] =	vst v63  }
0x34: {  	_ =	swait.ge [sflag:s29], $0x4000  }
0x35: {  	[sflag:s29] =	ssyncset.done $0x0  }
0x36: {  	[sflag:s29] =	ssyncadd.s32 $0xFFFFC000  }
0x37: {  	[tilespmem:s30], [sflag:$0x3] =	stream.linear.gather [hbm4b:s23+s3], $0x80, $0x38;
	[tilespmem:$0x18180] =	vst v63  }
0x38: {  	_ =	swait.ge [sflag:s29], $0x80  }
0x39: {  	[sflag:s29] =	ssyncset.done $0x0  }
0x3a: {  	[sflag:s29] =	ssyncadd.s32 $0xFFFFFF80  }
0x3b: {  	[spmem:s2] =	stream.indirect.scatter [tilespmem:s28], [sflag:$0x3], $0x80, s30, s30, $0xb8;
	[tilespmem:$0x18180] =	vst v63  }
0x3c: {  	_ =	swait.ge [sflag:s29], $0x4000  }
0x3d: {  	[sflag:s29] =	ssyncset.done $0x0  }
0x3e: {  	[sflag:s29] =	ssyncadd.s32 $0xFFFFC000  }
0x3f: {  	[tilespmem:s30], [sflag:$0x3] =	stream.linear.gather [hbm4b:s24+s3], $0x80, $0x38;
	[tilespmem:$0x18180] =	vst v63  }
0x40: {  	_ =	swait.ge [sflag:s29], $0x80  }
0x41: {  	[sflag:s29] =	ssyncset.done $0x0  }
0x42: {  	[sflag:s29] =	ssyncadd.s32 $0xFFFFFF80  }
0x43: {  	[spmem:s2] =	stream.indirect.scatter [tilespmem:s28], [sflag:$0x3], $0x80, s30, s30, $0xb8;
	[tilespmem:$0x18180] =	vst v63  }
0x44: {  	_ =	swait.ge [sflag:s29], $0x4000  }
0x45: {  	[sflag:s29] =	ssyncset.done $0x0  }
0x46: {  	[sflag:s29] =	ssyncadd.s32 $0xFFFFC000  }
0x47: {  	s9 =	sadd.s32 $0x0, s19;
	[bflag:$0x0] =	sbarrier.arrive $0xFFFF  }
0x48: {  	[tilespmem:s3], [sflag:$0x1] =	stream.linear.gather [hbm4b:s9+s3], $0x80, $0x38;
	[tilespmem:$0x18180] =	vst v63  }
0x49: {  	s13 =	sadd.s32 $0x0, s20  }
0x4a: {  	[tilespmem:s30], [sflag:$0x1] =	stream.linear.gather [hbm4b:s13+s3], $0x80, $0x38;
	[tilespmem:$0x18180] =	vst v63  }
0x4b: {  	_ =	swait.ge [sflag:s31], $0x80  }
0x4c: {  	[sflag:s31] =	ssyncset.done $0x0  }
0x4d: {  	[sflag:s31] =	ssyncadd.s32 $0xFFFFFF80  }
0x4e: {  	_ =	swait.ge [sflag:s31], $0x80  }
0x4f: {  	[sflag:s31] =	ssyncset.done $0x0  }
0x50: {  	[sflag:s31] =	ssyncadd.s32 $0xFFFFFF80  }
0x51: {  	[tilespmem:s28], [sflag:$0x1] =	stream.indirect.gather [hbm4b:s4+s30], $0x80, s3, s30, $0xb8;
	[tilespmem:$0x18180] =	vst v63  }
0x52: {  	_ =	swait.ge [sflag:s31], $0x4000  }
0x53: {  	[sflag:s31] =	ssyncset.done $0x0  }
0x54: {  	[sflag:s31] =	ssyncadd.s32 $0xFFFFC000  }
0x55: {  	[spmem:s2] =	stream.indirect.scatter.add.f32 [tilespmem:s28], [sflag:$0x3], $0x80, s30, s30, $0xb8;
	[tilespmem:$0x18180] =	vst v63  }
0x56: {  	_ =	swait.ge [sflag:s29], $0x4000  }
0x57: {  	s10 =	simm.s32 $0x20;
	s9 =	simm.s32 $0x10;
	[sflag:s29] =	ssyncset.done $0x0  }
.LBB2_2:
0x58: {  	s11 =	sadd.s32 s9, s19  }
0x59: {  	[sflag:s29] =	ssyncadd.s32 $0xFFFFC000;
	s12 =	smov.u32 s10;
	s13 =	sadd.s32 $0x10, s10  }
0x5a: {  	[tilespmem:s3], [sflag:$0x1] =	stream.linear.gather [hbm4b:s11+s3], $0x80, $0x38;
	[tilespmem:$0x18180] =	vst v63  }
0x5b: {  	p0 =	sne.s32 s10, $0x4E0;
	s10 =	sadd.s32 s9, s20;
	s9 =	smov.u32 s12  }
0x5c: {  	[tilespmem:s30], [sflag:$0x1] =	stream.linear.gather [hbm4b:s10+s3], $0x80, $0x38;
	[tilespmem:$0x18180] =	vst v63  }
0x5d: {  	_ =	swait.ge [sflag:s31], $0x80  }
0x5e: {  	[sflag:s31] =	ssyncset.done $0x0  }
0x5f: {  	[sflag:s31] =	ssyncadd.s32 $0xFFFFFF80  }
0x60: {  	_ =	swait.ge [sflag:s31], $0x80  }
0x61: {  	[sflag:s31] =	ssyncset.done $0x0  }
0x62: {  	[sflag:s31] =	ssyncadd.s32 $0xFFFFFF80  }
0x63: {  	[tilespmem:s28], [sflag:$0x1] =	stream.indirect.gather [hbm4b:s4+s30], $0x80, s3, s30, $0xb8;
	[tilespmem:$0x18180] =	vst v63  }
0x64: {  	_ =	swait.ge [sflag:s31], $0x4000  }
.Ltmp0:
0x65: {  	[sflag:s31] =	ssyncset.done $0x0;
	(pc) =	sbr.rel @p0 .LBB2_2-.Ltmp0, $4  }
0x66: {  	[sflag:s31] =	ssyncadd.s32 $0xFFFFC000  }
0x67: {  	[spmem:s2] =	stream.indirect.scatter.add.f32 [tilespmem:s28], [sflag:$0x3], $0x80, s30, s30, $0xb8;
	[tilespmem:$0x18180] =	vst v63  }
0x68: {  	_ =	swait.ge [sflag:s29], $0x4000  }
0x69: {  	s10 =	smov.u32 s13;
	[sflag:s29] =	ssyncset.done $0x0  }
0x6a: {  	s10 =	sadd.s32 s9, s19;
	[sflag:s29] =	ssyncadd.s32 $0xFFFFC000  }
0x6b: {  	[tilespmem:s3], [sflag:$0x1] =	stream.linear.gather [hbm4b:s10+s3], $0x80, $0x38;
	[tilespmem:$0x18180] =	vst v63  }
0x6c: {  	s11 =	sadd.s32 s9, s20  }
0x6d: {  	[tilespmem:s30], [sflag:$0x1] =	stream.linear.gather [hbm4b:s11+s3], $0x80, $0x38;
	[tilespmem:$0x18180] =	vst v63  }
0x6e: {  	_ =	swait.ge [sflag:s31], $0x80  }
0x6f: {  	[sflag:s31] =	ssyncset.done $0x0  }
0x70: {  	[sflag:s31] =	ssyncadd.s32 $0xFFFFFF80  }
0x71: {  	_ =	swait.ge [sflag:s31], $0x80  }
0x72: {  	[sflag:s31] =	ssyncset.done $0x0  }
0x73: {  	[sflag:s31] =	ssyncadd.s32 $0xFFFFFF80  }
0x74: {  	[tilespmem:s28], [sflag:$0x1] =	stream.indirect.gather [hbm4b:s4+s30], $0x80, s3, s30, $0xb8;
	[tilespmem:$0x18180] =	vst v63  }
0x75: {  	_ =	swait.ge [sflag:s31], $0x4000  }
0x76: {  	[sflag:s31] =	ssyncset.done $0x0  }
0x77: {  	[sflag:s31] =	ssyncadd.s32 $0xFFFFC000  }
0x78: {  	[spmem:s2] =	stream.indirect.scatter.add.f32 [tilespmem:s28], [sflag:$0x3], $0x80, s30, s30, $0xb8;
	[tilespmem:$0x18180] =	vst v63  }
0x79: {  	_ =	swait.ge [sflag:s29], $0x4000  }
0x7a: {  	[sflag:s29] =	ssyncset.done $0x0  }
0x7b: {  	[sflag:s29] =	ssyncadd.s32 $0xFFFFC000  }
0x7c: {  	s9 =	simm.s32 $0x0;
	[bflag:$0x0] =	sbarrier.arrive $0xFFFF  }
0x7d: {  	[tilespmem:s30], [sflag:$0x3] =	stream.linear.gather [hbm4b:s7+s9], $0x80, $0x38;
	[tilespmem:$0x18180] =	vst v63  }
0x7e: {  	_ =	swait.ge [sflag:s29], $0x80  }
0x7f: {  	[sflag:s29] =	ssyncset.done $0x0  }
0x80: {  	[sflag:s29] =	ssyncadd.s32 $0xFFFFFF80  }
0x81: {  	[tilespmem:s28], [sflag:$0x3] =	stream.indirect.gather [spmem:s2], $0x80, s30, s30, $0xb8;
	[tilespmem:$0x18180] =	vst v63  }
0x82: {  	_ =	swait.ge [sflag:s29], $0x4000  }
0x83: {  	[sflag:s29] =	ssyncset.done $0x0  }
0x84: {  	s12 =	rddreg [dreg:$0x5];
	[sflag:s29] =	ssyncadd.s32 $0xFFFFC000  }
0x85: {  	[hbm4b:s12+s9] =	stream.linear.scatter [tilespmem:s28], [sflag:$0x3], $0x4000, $0x38;
	[tilespmem:$0x18180] =	vst v63  }
0x86: {  	_ =	swait.ge [sflag:s29], $0x4000  }
0x87: {  	[sflag:s29] =	ssyncset.done $0x0  }
0x88: {  	[sflag:s29] =	ssyncadd.s32 $0xFFFFC000  }
0x89: {  	[tilespmem:s30], [sflag:$0x3] =	stream.linear.gather [hbm4b:s8+s9], $0x80, $0x38;
	[tilespmem:$0x18180] =	vst v63  }
0x8a: {  	_ =	swait.ge [sflag:s29], $0x80  }
0x8b: {  	[sflag:s29] =	ssyncset.done $0x0  }
0x8c: {  	[sflag:s29] =	ssyncadd.s32 $0xFFFFFF80  }
0x8d: {  	[tilespmem:s28], [sflag:$0x3] =	stream.indirect.gather [spmem:s2], $0x80, s30, s30, $0xb8;
	[tilespmem:$0x18180] =	vst v63  }
0x8e: {  	_ =	swait.ge [sflag:s29], $0x4000  }
0x8f: {  	[sflag:s29] =	ssyncset.done $0x0  }
0x90: {  	s13 =	rddreg [dreg:$0x6];
	[sflag:s29] =	ssyncadd.s32 $0xFFFFC000  }
0x91: {  	[hbm4b:s13+s9] =	stream.linear.scatter [tilespmem:s28], [sflag:$0x3], $0x4000, $0x38;
	[tilespmem:$0x18180] =	vst v63  }
0x92: {  	_ =	swait.ge [sflag:s29], $0x4000  }
0x93: {  	[sflag:s29] =	ssyncset.done $0x0  }
0x94: {  	[sflag:s29] =	ssyncadd.s32 $0xFFFFC000  }
0x95: {  	[tilespmem:s30], [sflag:$0x3] =	stream.linear.gather [hbm4b:s22+s9], $0x80, $0x38;
	[tilespmem:$0x18180] =	vst v63  }
0x96: {  	_ =	swait.ge [sflag:s29], $0x80  }
0x97: {  	[sflag:s29] =	ssyncset.done $0x0  }
0x98: {  	[sflag:s29] =	ssyncadd.s32 $0xFFFFFF80  }
0x99: {  	[tilespmem:s28], [sflag:$0x3] =	stream.indirect.gather [spmem:s2], $0x80, s30, s30, $0xb8;
	[tilespmem:$0x18180] =	vst v63  }
0x9a: {  	_ =	swait.ge [sflag:s29], $0x4000  }
0x9b: {  	[sflag:s29] =	ssyncset.done $0x0  }
0x9c: {  	s11 =	rddreg [dreg:$0x7];
	[sflag:s29] =	ssyncadd.s32 $0xFFFFC000  }
0x9d: {  	[hbm4b:s11+s9] =	stream.linear.scatter [tilespmem:s28], [sflag:$0x3], $0x4000, $0x38;
	[tilespmem:$0x18180] =	vst v63  }
0x9e: {  	_ =	swait.ge [sflag:s29], $0x4000  }
0x9f: {  	[sflag:s29] =	ssyncset.done $0x0  }
0xa0: {  	[sflag:s29] =	ssyncadd.s32 $0xFFFFC000  }
0xa1: {  	[tilespmem:s30], [sflag:$0x3] =	stream.linear.gather [hbm4b:s23+s9], $0x80, $0x38;
	[tilespmem:$0x18180] =	vst v63  }
0xa2: {  	_ =	swait.ge [sflag:s29], $0x80  }
0xa3: {  	[sflag:s29] =	ssyncset.done $0x0  }
0xa4: {  	[sflag:s29] =	ssyncadd.s32 $0xFFFFFF80  }
0xa5: {  	[tilespmem:s28], [sflag:$0x3] =	stream.indirect.gather [spmem:s2], $0x80, s30, s30, $0xb8;
	[tilespmem:$0x18180] =	vst v63  }
0xa6: {  	_ =	swait.ge [sflag:s29], $0x4000  }
0xa7: {  	[sflag:s29] =	ssyncset.done $0x0  }
0xa8: {  	s12 =	rddreg [dreg:$0x8];
	[sflag:s29] =	ssyncadd.s32 $0xFFFFC000  }
0xa9: {  	[hbm4b:s12+s9] =	stream.linear.scatter [tilespmem:s28], [sflag:$0x3], $0x4000, $0x38;
	[tilespmem:$0x18180] =	vst v63  }
0xaa: {  	_ =	swait.ge [sflag:s29], $0x4000  }
0xab: {  	[sflag:s29] =	ssyncset.done $0x0  }
0xac: {  	[sflag:s29] =	ssyncadd.s32 $0xFFFFC000  }
0xad: {  	[tilespmem:s30], [sflag:$0x3] =	stream.linear.gather [hbm4b:s24+s9], $0x80, $0x38;
	[tilespmem:$0x18180] =	vst v63  }
0xae: {  	_ =	swait.ge [sflag:s29], $0x80  }
0xaf: {  	[sflag:s29] =	ssyncset.done $0x0  }
0xb0: {  	[sflag:s29] =	ssyncadd.s32 $0xFFFFFF80  }
0xb1: {  	[tilespmem:s28], [sflag:$0x3] =	stream.indirect.gather [spmem:s2], $0x80, s30, s30, $0xb8;
	[tilespmem:$0x18180] =	vst v63  }
0xb2: {  	_ =	swait.ge [sflag:s29], $0x4000  }
0xb3: {  	[sflag:s29] =	ssyncset.done $0x0  }
0xb4: {  	s13 =	rddreg [dreg:$0x9];
	[sflag:s29] =	ssyncadd.s32 $0xFFFFC000  }
0xb5: {  	[hbm4b:s13+s9] =	stream.linear.scatter [tilespmem:s28], [sflag:$0x3], $0x4000, $0x38;
	[tilespmem:$0x18180] =	vst v63  }
0xb6: {  	_ =	swait.ge [sflag:s29], $0x4000  }
0xb7: {  	[sflag:s29] =	ssyncset.done $0x0  }
0xb8: {  	[sflag:s29] =	ssyncadd.s32 $0xFFFFC000  }
0xb9: {  	[bflag:$0x0] =	sbarrier.arrive $0xFFFF  }
0xba: {  	[tilespmem:s28], [sflag:$0x3] =	stream.linear.gather [hbm4b:s5+s9], $0x4000, $0x38;
	[tilespmem:$0x18180] =	vst v63  }
0xbb: {  	_ =	swait.ge [sflag:s29], $0x4000  }
0xbc: {  	[sflag:s29] =	ssyncset.done $0x0  }
0xbd: {  	[sflag:s29] =	ssyncadd.s32 $0xFFFFC000  }
0xbe: {  	[tilespmem:s30], [sflag:$0x3] =	stream.linear.gather [hbm4b:s7+s9], $0x80, $0x38;
	[tilespmem:$0x18180] =	vst v63  }
0xbf: {  	_ =	swait.ge [sflag:s29], $0x80  }
0xc0: {  	[sflag:s29] =	ssyncset.done $0x0  }
0xc1: {  	[sflag:s29] =	ssyncadd.s32 $0xFFFFFF80  }
0xc2: {  	[spmem:s2] =	stream.indirect.scatter [tilespmem:s28], [sflag:$0x3], $0x80, s30, s30, $0xb8;
	[tilespmem:$0x18180] =	vst v63  }
0xc3: {  	_ =	swait.ge [sflag:s29], $0x4000  }
0xc4: {  	[sflag:s29] =	ssyncset.done $0x0  }
0xc5: {  	[sflag:s29] =	ssyncadd.s32 $0xFFFFC000  }
0xc6: {  	[tilespmem:s30], [sflag:$0x3] =	stream.linear.gather [hbm4b:s8+s9], $0x80, $0x38;
	[tilespmem:$0x18180] =	vst v63  }
0xc7: {  	_ =	swait.ge [sflag:s29], $0x80  }
0xc8: {  	[sflag:s29] =	ssyncset.done $0x0  }
0xc9: {  	[sflag:s29] =	ssyncadd.s32 $0xFFFFFF80  }
0xca: {  	[spmem:s2] =	stream.indirect.scatter [tilespmem:s28], [sflag:$0x3], $0x80, s30, s30, $0xb8;
	[tilespmem:$0x18180] =	vst v63  }
0xcb: {  	_ =	swait.ge [sflag:s29], $0x4000  }
0xcc: {  	[sflag:s29] =	ssyncset.done $0x0  }
0xcd: {  	[sflag:s29] =	ssyncadd.s32 $0xFFFFC000  }
0xce: {  	[tilespmem:s30], [sflag:$0x3] =	stream.linear.gather [hbm4b:s22+s9], $0x80, $0x38;
	[tilespmem:$0x18180] =	vst v63  }
0xcf: {  	_ =	swait.ge [sflag:s29], $0x80  }
0xd0: {  	[sflag:s29] =	ssyncset.done $0x0  }
0xd1: {  	[sflag:s29] =	ssyncadd.s32 $0xFFFFFF80  }
0xd2: {  	[spmem:s2] =	stream.indirect.scatter [tilespmem:s28], [sflag:$0x3], $0x80, s30, s30, $0xb8;
	[tilespmem:$0x18180] =	vst v63  }
0xd3: {  	_ =	swait.ge [sflag:s29], $0x4000  }
0xd4: {  	[sflag:s29] =	ssyncset.done $0x0  }
0xd5: {  	[sflag:s29] =	ssyncadd.s32 $0xFFFFC000  }
0xd6: {  	[tilespmem:s30], [sflag:$0x3] =	stream.linear.gather [hbm4b:s23+s9], $0x80, $0x38;
	[tilespmem:$0x18180] =	vst v63  }
0xd7: {  	_ =	swait.ge [sflag:s29], $0x80  }
0xd8: {  	[sflag:s29] =	ssyncset.done $0x0  }
0xd9: {  	[sflag:s29] =	ssyncadd.s32 $0xFFFFFF80  }
0xda: {  	[spmem:s2] =	stream.indirect.scatter [tilespmem:s28], [sflag:$0x3], $0x80, s30, s30, $0xb8;
	[tilespmem:$0x18180] =	vst v63  }
0xdb: {  	_ =	swait.ge [sflag:s29], $0x4000  }
0xdc: {  	[sflag:s29] =	ssyncset.done $0x0  }
0xdd: {  	[sflag:s29] =	ssyncadd.s32 $0xFFFFC000  }
0xde: {  	[tilespmem:s30], [sflag:$0x3] =	stream.linear.gather [hbm4b:s24+s9], $0x80, $0x38;
	[tilespmem:$0x18180] =	vst v63  }
0xdf: {  	_ =	swait.ge [sflag:s29], $0x80  }
0xe0: {  	[sflag:s29] =	ssyncset.done $0x0  }
0xe1: {  	[sflag:s29] =	ssyncadd.s32 $0xFFFFFF80  }
0xe2: {  	[spmem:s2] =	stream.indirect.scatter [tilespmem:s28], [sflag:$0x3], $0x80, s30, s30, $0xb8;
	[tilespmem:$0x18180] =	vst v63  }
0xe3: {  	_ =	swait.ge [sflag:s29], $0x4000  }
0xe4: {  	[sflag:s29] =	ssyncset.done $0x0  }
0xe5: {  	[sflag:s29] =	ssyncadd.s32 $0xFFFFC000  }
0xe6: {  	[bflag:$0x0] =	sbarrier.arrive $0xFFFF  }
0xe7: {  	s11 =	rddreg [dreg:$0x4]  }
0xe8: {  	[tilespmem:s28], [sflag:$0x3] =	stream.linear.gather [hbm4b:s11+s9], $0x4000, $0x38;
	[tilespmem:$0x18180] =	vst v63  }
0xe9: {  	_ =	swait.ge [sflag:s29], $0x4000  }
0xea: {  	[sflag:s29] =	ssyncset.done $0x0  }
0xeb: {  	s12 =	sadd.s32 $0x0, s20;
	[sflag:s29] =	ssyncadd.s32 $0xFFFFC000  }
0xec: {  	[tilespmem:s30], [sflag:$0x1] =	stream.linear.gather [hbm4b:s12+s3], $0x80, $0x38;
	[tilespmem:$0x18180] =	vst v63  }
0xed: {  	s13 =	sadd.s32 $0x0, s21  }
0xee: {  	[tilespmem:s0], [sflag:$0x2] =	stream.linear.gather [hbm4b:s13+s3], $0x80, $0x38;
	[tilespmem:$0x18180] =	vst v63  }
0xef: {  	_ =	swait.ge [sflag:s31], $0x80  }
0xf0: {  	[sflag:s31] =	ssyncset.done $0x0  }
0xf1: {  	[sflag:s31] =	ssyncadd.s32 $0xFFFFFF80  }
0xf2: {  	[spmem:s2] =	stream.indirect.scatter.add.f32 [tilespmem:s28], [sflag:$0x3], $0x80, s30, s30, $0xb8;
	[tilespmem:$0x18180] =	vst v63  }
0xf3: {  	_ =	swait.ge [sflag:s29], $0x4000  }
0xf4: {  	[sflag:s29] =	ssyncset.done $0x0  }
0xf5: {  	[sflag:s29] =	ssyncadd.s32 $0xFFFFC000  }
0xf6: {  	_ =	swait.ge [sflag:s1], $0x80  }
0xf7: {  	[sflag:s1] =	ssyncset.done $0x0  }
0xf8: {  	[sflag:s1] =	ssyncadd.s32 $0xFFFFFF80  }
0xf9: {  	[spmem:s2] =	stream.indirect.scatter.add.f32 [tilespmem:s28], [sflag:$0x3], $0x80, s0, s30, $0xb8;
	[tilespmem:$0x18180] =	vst v63  }
0xfa: {  	_ =	swait.ge [sflag:s29], $0x4000  }
0xfb: {  	s10 =	simm.s32 $0x40;
	s9 =	simm.s32 $0x20;
	[sflag:s29] =	ssyncset.done $0x0  }
.LBB2_4:
0xfc: {  	s11 =	sadd.s32 s9, s20  }
0xfd: {  	[sflag:s29] =	ssyncadd.s32 $0xFFFFC000;
	s12 =	smov.u32 s10;
	s13 =	sadd.s32 $0x20, s10  }
0xfe: {  	[tilespmem:s30], [sflag:$0x1] =	stream.linear.gather [hbm4b:s11+s3], $0x80, $0x38;
	[tilespmem:$0x18180] =	vst v63  }
0xff: {  	p0 =	sne.s32 s10, $0x4C0;
	s10 =	sadd.s32 s9, s21;
	s9 =	smov.u32 s12  }
0x100: {  	[tilespmem:s0], [sflag:$0x2] =	stream.linear.gather [hbm4b:s10+s3], $0x80, $0x38;
	[tilespmem:$0x18180] =	vst v63  }
0x101: {  	_ =	swait.ge [sflag:s31], $0x80  }
0x102: {  	[sflag:s31] =	ssyncset.done $0x0  }
0x103: {  	[sflag:s31] =	ssyncadd.s32 $0xFFFFFF80  }
0x104: {  	[spmem:s2] =	stream.indirect.scatter.add.f32 [tilespmem:s28], [sflag:$0x3], $0x80, s30, s30, $0xb8;
	[tilespmem:$0x18180] =	vst v63  }
0x105: {  	_ =	swait.ge [sflag:s29], $0x4000  }
0x106: {  	[sflag:s29] =	ssyncset.done $0x0  }
0x107: {  	[sflag:s29] =	ssyncadd.s32 $0xFFFFC000  }
0x108: {  	_ =	swait.ge [sflag:s1], $0x80  }
.Ltmp1:
0x109: {  	[sflag:s1] =	ssyncset.done $0x0;
	(pc) =	sbr.rel @p0 .LBB2_4-.Ltmp1, $4  }
0x10a: {  	[sflag:s1] =	ssyncadd.s32 $0xFFFFFF80  }
0x10b: {  	[spmem:s2] =	stream.indirect.scatter.add.f32 [tilespmem:s28], [sflag:$0x3], $0x80, s0, s30, $0xb8;
	[tilespmem:$0x18180] =	vst v63  }
0x10c: {  	_ =	swait.ge [sflag:s29], $0x4000  }
0x10d: {  	s10 =	smov.u32 s13;
	[sflag:s29] =	ssyncset.done $0x0  }
0x10e: {  	s10 =	sadd.s32 s9, s20;
	[sflag:s29] =	ssyncadd.s32 $0xFFFFC000  }
0x10f: {  	[tilespmem:s30], [sflag:$0x1] =	stream.linear.gather [hbm4b:s10+s3], $0x80, $0x38;
	[tilespmem:$0x18180] =	vst v63  }
0x110: {  	s13 =	sadd.s32 s9, s21  }
0x111: {  	[tilespmem:s0], [sflag:$0x2] =	stream.linear.gather [hbm4b:s13+s3], $0x80, $0x38;
	[tilespmem:$0x18180] =	vst v63  }
0x112: {  	_ =	swait.ge [sflag:s31], $0x80  }
0x113: {  	[sflag:s31] =	ssyncset.done $0x0  }
0x114: {  	[sflag:s31] =	ssyncadd.s32 $0xFFFFFF80  }
0x115: {  	[spmem:s2] =	stream.indirect.scatter.add.f32 [tilespmem:s28], [sflag:$0x3], $0x80, s30, s30, $0xb8;
	[tilespmem:$0x18180] =	vst v63  }
0x116: {  	_ =	swait.ge [sflag:s29], $0x4000  }
0x117: {  	[sflag:s29] =	ssyncset.done $0x0  }
0x118: {  	[sflag:s29] =	ssyncadd.s32 $0xFFFFC000  }
0x119: {  	_ =	swait.ge [sflag:s1], $0x80  }
0x11a: {  	[sflag:s1] =	ssyncset.done $0x0  }
0x11b: {  	[sflag:s1] =	ssyncadd.s32 $0xFFFFFF80  }
0x11c: {  	[spmem:s2] =	stream.indirect.scatter.add.f32 [tilespmem:s28], [sflag:$0x3], $0x80, s0, s30, $0xb8;
	[tilespmem:$0x18180] =	vst v63  }
0x11d: {  	_ =	swait.ge [sflag:s29], $0x4000  }
0x11e: {  	[sflag:s29] =	ssyncset.done $0x0  }
0x11f: {  	[sflag:s29] =	ssyncadd.s32 $0xFFFFC000  }
0x120: {  	[tilespmem:s30], [sflag:$0x3] =	stream.linear.gather [hbm4b:s25+s3], $0x80, $0x38;
	[tilespmem:$0x18180] =	vst v63  }
0x121: {  	_ =	swait.ge [sflag:s29], $0x80  }
0x122: {  	[sflag:s29] =	ssyncset.done $0x0  }
0x123: {  	[sflag:s29] =	ssyncadd.s32 $0xFFFFFF80  }
0x124: {  	[spmem:s2] =	stream.indirect.scatter.add.f32 [tilespmem:s28], [sflag:$0x3], $0x80, s30, s30, $0xb8;
	[tilespmem:$0x18180] =	vst v63  }
0x125: {  	_ =	swait.ge [sflag:s29], $0x4000  }
0x126: {  	[sflag:s29] =	ssyncset.done $0x0  }
0x127: {  	[sflag:s29] =	ssyncadd.s32 $0xFFFFC000  }
0x128: {  	[bflag:$0x0] =	sbarrier.arrive $0xFFFF  }
0x129: {  	[tilespmem:s30], [sflag:$0x3] =	stream.linear.gather [hbm4b:s7+s3], $0x80, $0x38;
	[tilespmem:$0x18180] =	vst v63  }
0x12a: {  	_ =	swait.ge [sflag:s29], $0x80  }
0x12b: {  	[sflag:s29] =	ssyncset.done $0x0  }
0x12c: {  	[sflag:s29] =	ssyncadd.s32 $0xFFFFFF80  }
0x12d: {  	[tilespmem:s28], [sflag:$0x3] =	stream.indirect.gather [spmem:s2], $0x80, s30, s30, $0xb8;
	[tilespmem:$0x18180] =	vst v63  }
0x12e: {  	_ =	swait.ge [sflag:s29], $0x4000  }
0x12f: {  	[sflag:s29] =	ssyncset.done $0x0  }
0x130: {  	[sflag:s29] =	ssyncadd.s32 $0xFFFFC000  }
0x131: {  	[hbm4b:s14+s3] =	stream.linear.scatter [tilespmem:s28], [sflag:$0x3], $0x4000, $0x38;
	[tilespmem:$0x18180] =	vst v63  }
0x132: {  	_ =	swait.ge [sflag:s29], $0x4000  }
0x133: {  	[sflag:s29] =	ssyncset.done $0x0  }
0x134: {  	[sflag:s29] =	ssyncadd.s32 $0xFFFFC000  }
0x135: {  	[tilespmem:s30], [sflag:$0x3] =	stream.linear.gather [hbm4b:s8+s3], $0x80, $0x38;
	[tilespmem:$0x18180] =	vst v63  }
0x136: {  	_ =	swait.ge [sflag:s29], $0x80  }
0x137: {  	[sflag:s29] =	ssyncset.done $0x0  }
0x138: {  	[sflag:s29] =	ssyncadd.s32 $0xFFFFFF80  }
0x139: {  	[tilespmem:s28], [sflag:$0x3] =	stream.indirect.gather [spmem:s2], $0x80, s30, s30, $0xb8;
	[tilespmem:$0x18180] =	vst v63  }
0x13a: {  	_ =	swait.ge [sflag:s29], $0x4000  }
0x13b: {  	[sflag:s29] =	ssyncset.done $0x0  }
0x13c: {  	[sflag:s29] =	ssyncadd.s32 $0xFFFFC000  }
0x13d: {  	[hbm4b:s15+s3] =	stream.linear.scatter [tilespmem:s28], [sflag:$0x3], $0x4000, $0x38;
	[tilespmem:$0x18180] =	vst v63  }
0x13e: {  	_ =	swait.ge [sflag:s29], $0x4000  }
0x13f: {  	[sflag:s29] =	ssyncset.done $0x0  }
0x140: {  	[sflag:s29] =	ssyncadd.s32 $0xFFFFC000  }
0x141: {  	[tilespmem:s30], [sflag:$0x3] =	stream.linear.gather [hbm4b:s22+s3], $0x80, $0x38;
	[tilespmem:$0x18180] =	vst v63  }
0x142: {  	_ =	swait.ge [sflag:s29], $0x80  }
0x143: {  	[sflag:s29] =	ssyncset.done $0x0  }
0x144: {  	[sflag:s29] =	ssyncadd.s32 $0xFFFFFF80  }
0x145: {  	[tilespmem:s28], [sflag:$0x3] =	stream.indirect.gather [spmem:s2], $0x80, s30, s30, $0xb8;
	[tilespmem:$0x18180] =	vst v63  }
0x146: {  	_ =	swait.ge [sflag:s29], $0x4000  }
0x147: {  	[sflag:s29] =	ssyncset.done $0x0  }
0x148: {  	[sflag:s29] =	ssyncadd.s32 $0xFFFFC000  }
0x149: {  	[hbm4b:s16+s3] =	stream.linear.scatter [tilespmem:s28], [sflag:$0x3], $0x4000, $0x38;
	[tilespmem:$0x18180] =	vst v63  }
0x14a: {  	_ =	swait.ge [sflag:s29], $0x4000  }
0x14b: {  	[sflag:s29] =	ssyncset.done $0x0  }
0x14c: {  	[sflag:s29] =	ssyncadd.s32 $0xFFFFC000  }
0x14d: {  	[tilespmem:s30], [sflag:$0x3] =	stream.linear.gather [hbm4b:s23+s3], $0x80, $0x38;
	[tilespmem:$0x18180] =	vst v63  }
0x14e: {  	_ =	swait.ge [sflag:s29], $0x80  }
0x14f: {  	[sflag:s29] =	ssyncset.done $0x0  }
0x150: {  	[sflag:s29] =	ssyncadd.s32 $0xFFFFFF80  }
0x151: {  	[tilespmem:s28], [sflag:$0x3] =	stream.indirect.gather [spmem:s2], $0x80, s30, s30, $0xb8;
	[tilespmem:$0x18180] =	vst v63  }
0x152: {  	_ =	swait.ge [sflag:s29], $0x4000  }
0x153: {  	[sflag:s29] =	ssyncset.done $0x0  }
0x154: {  	[sflag:s29] =	ssyncadd.s32 $0xFFFFC000  }
0x155: {  	[hbm4b:s17+s3] =	stream.linear.scatter [tilespmem:s28], [sflag:$0x3], $0x4000, $0x38;
	[tilespmem:$0x18180] =	vst v63  }
0x156: {  	_ =	swait.ge [sflag:s29], $0x4000  }
0x157: {  	[sflag:s29] =	ssyncset.done $0x0  }
0x158: {  	[sflag:s29] =	ssyncadd.s32 $0xFFFFC000  }
0x159: {  	[tilespmem:s30], [sflag:$0x3] =	stream.linear.gather [hbm4b:s24+s3], $0x80, $0x38;
	[tilespmem:$0x18180] =	vst v63  }
0x15a: {  	_ =	swait.ge [sflag:s29], $0x80  }
0x15b: {  	[sflag:s29] =	ssyncset.done $0x0  }
0x15c: {  	[sflag:s29] =	ssyncadd.s32 $0xFFFFFF80  }
0x15d: {  	[tilespmem:s28], [sflag:$0x3] =	stream.indirect.gather [spmem:s2], $0x80, s30, s30, $0xb8;
	[tilespmem:$0x18180] =	vst v63  }
0x15e: {  	_ =	swait.ge [sflag:s29], $0x4000  }
0x15f: {  	s6 =	sadd.s32 $0x1, s6;
	[sflag:s29] =	ssyncset.done $0x0  }
0x160: {  	p0 =	sne.s32 s6, s26;
	[sflag:s29] =	ssyncadd.s32 $0xFFFFC000  }
0x161: {  	[hbm4b:s18+s3] =	stream.linear.scatter [tilespmem:s28], [sflag:$0x3], $0x4000, $0x38;
	[tilespmem:$0x18180] =	vst v63  }
.Ltmp2:
0x162: {  	_ =	swait.ge [sflag:s29], $0x4000;
	(pc) =	sbr.rel @p0 .LBB2_1-.Ltmp2, $3  }
0x163: {  	[sflag:s29] =	ssyncset.done $0x0  }
0x164: {  	[sflag:s29] =	ssyncadd.s32 $0xFFFFC000  }
0x165: {  	[bflag:$0x0] =	sbarrier.arrive $0xFFFF;
	_ =	sdelay $0x1  }
0x166: {  	_ =	sfence.sel $0x180000  }
0x167: {  	[bflag:$0x0] =	sbarrier.arrive $0xFFFF  }
0x168: {  	_ =	strace $0x90000047  }
0x169: {  	s0 =	stileid.u32;
	[bflag:$0x2] =	sbarrier.arrive $0xFFFF  }
0x16a: {  	p0 =	sne.s32 s0, $0x0;
	s0 =	rddreg [dreg:$0x3]  }
0x16b: {  	s0 =	sadd.s32 @!p0 $0x100000, s0  }
0x16c: {  	[sflag:s0] =	ssyncadd.tile.s32 @!p0 $0x1;
	_ =	shalt  }
.Lfunc_end2:
_tile_overlayer_lowered:
.L_overlay_start_2:
0x16d: {  	(tag) =	ssettag $0x2  }
0x16e: {  	s0 =	rddreg [dreg:$0x0];
	s2 =	stileid.u32  }
0x16f: {  	s1 =	rddreg [dreg:$0x1];
	p0 =	sne.s32 s2, $0x0  }
0x170: {  	s3 =	rddreg [dreg:$0x2];
	[bflag:$0x3] =	sbarrier.arrive $0xFFFF;
	s2 =	simm.s32 @!p0 $0x1C03  }
0x171: {  	[timem:s3], [sflag:s2] =	dma.local @!p0 [hbm:s0], s1  }
0x172: {  	s0 =	simm.s32 @!p0 $0x3  }
0x173: {  	_ =	swait.ge @!p0 [sflag:s0], s1  }
0x174: {  	s1 =	ssub.s32 @!p0 $0x0, s1;
	[sflag:s0] =	ssyncset.done @!p0 $0x0  }
0x175: {  	[sflag:s0] =	ssyncadd.s32 @!p0 s1  }
0x176: {  	[bflag:$0x3] =	sbarrier.arrive $0xFFFF  }
0x177: {  	_ =	shalt  }

</sc_bundles>
